<compile_context>
chip_gen: v7x
topology: tpu7x:2x2x1
jax: 0.10.2.dev20260603
libtpu: 0.0.44.dev20260713+nightly
codegen_flags: <defaults>
</compile_context>

<pallas_src>
import functools

import jax
import jax.numpy as jnp
from jax import lax
from jax.experimental import pallas as pl
from jax.experimental.pallas import tpu as pltpu
from jax.experimental.pallas import tpu_sc as plsc

_NC = 2
_NS = 16
_NW = _NC * _NS
_CH = 64
_G = 39

_DN = (((1,), (1,)), ((), ()))


def _edge_embed(edge_attr, We, be):
    E, DE = edge_attr.shape
    D = We.shape[0]
    BE = 16000
    assert E % BE == 0

    def body(ea, w, b, o):
        o[...] = jnp.maximum(
            lax.dot_general(ea[...], w[...], _DN,
                            preferred_element_type=jnp.float32) + b[...],
            0.0)

    return pl.pallas_call(
        body,
        grid=(E // BE,),
        in_specs=[
            pl.BlockSpec((BE, DE), lambda i: (i, 0)),
            pl.BlockSpec((D, DE), lambda i: (0, 0)),
            pl.BlockSpec((1, D), lambda i: (0, 0)),
        ],
        out_specs=pl.BlockSpec((BE, D), lambda i: (i, 0)),
        out_shape=jax.ShapeDtypeStruct((E, D), jnp.float32),
    )(edge_attr, We, be.reshape(1, D))


def _sc_aggregate(x, ef, idx_hbm):
    N, D = x.shape
    E = ef.shape[0]
    nch = E // _CH
    assert nch * _CH == E
    bcnt = nch // _NW
    extra = nch - bcnt * _NW
    ngrp = bcnt // _G
    assert ngrp * _G == bcnt
    nb = N // _CH
    nbr = N - nb * _CH
    nbpt = -(-nb // _NS)

    mesh = plsc.VectorSubcoreMesh(core_axis_name="c", subcore_axis_name="s")

    @functools.partial(
        pl.kernel,
        out_type=jax.ShapeDtypeStruct((_NC, N, D), jnp.float32),
        mesh=mesh,
        scratch_types=[
            pltpu.VMEM((_G, 1, _CH), jnp.int32),
            pltpu.VMEM((_G, 1, _CH), jnp.int32),
            pltpu.VMEM((2, _CH, D), jnp.float32),
            pltpu.VMEM((2, _CH, D), jnp.float32),
            pltpu.VMEM_SHARED((N, D), jnp.float32),
            pltpu.SemaphoreType.DMA((2,)),
            pltpu.SemaphoreType.DMA((2,)),
            pltpu.SemaphoreType.DMA((2,)),
            pltpu.SemaphoreType.DMA((2,)),
    ])
    def k(x_hbm, ef_hbm, idx, out_hbm,
          src_v, dst_v, xrows, efrows, agg_sh, semg, seme, semsx, semse):
        c = lax.axis_index("c")
        s = lax.axis_index("s")
        wid = s * _NC + c
        c0 = bcnt * wid + jnp.minimum(wid, extra)

        def zr(i, carry):
            xrows[0, i // (D // 16), pl.ds((i % (D // 16)) * 16, 16)] = (
                jnp.zeros((16,), jnp.float32))
            return carry
        lax.fori_loop(0, _CH * (D // 16), zr, 0)
        for t in range(nbpt):
            b = s + t * _NS

            @pl.when(b < nb)
            def _():
                pltpu.sync_copy(xrows.at[0], agg_sh.at[pl.ds(b * _CH, _CH)])
        if nbr:
            @pl.when(s == nb % _NS)
            def _():
                pltpu.sync_copy(xrows.at[0, pl.ds(0, nbr)],
                                agg_sh.at[pl.ds(nb * _CH, nbr)])
        plsc.subcore_barrier()

        def issue(ch, j, b):
            pltpu.async_copy(x_hbm.at[src_v.at[j, 0]], xrows.at[b],
                             semg.at[b])
            pltpu.async_copy(ef_hbm.at[pl.ds(ch * _CH, _CH)], efrows.at[b],
                             seme.at[b])

        def wait_in(j, b):
            pltpu.make_async_copy(x_hbm.at[src_v.at[j, 0]], xrows.at[b],
                                  semg.at[b]).wait()
            pltpu.make_async_copy(ef_hbm.at[pl.ds(0, _CH)], efrows.at[b],
                                  seme.at[b]).wait()

        def scat(j, b):
            pltpu.async_copy(xrows.at[b], agg_sh.at[dst_v.at[j, 0]],
                             semsx.at[b], add=True)
            pltpu.async_copy(efrows.at[b], agg_sh.at[dst_v.at[j, 0]],
                             semse.at[b], add=True)

        def wait_scat(j, b):
            pltpu.make_async_copy(xrows.at[b], agg_sh.at[dst_v.at[j, 0]],
                                  semsx.at[b]).wait()
            pltpu.make_async_copy(efrows.at[b], agg_sh.at[dst_v.at[j, 0]],
                                  semse.at[b]).wait()

        def group(g, carry):
            g0 = c0 + g * _G
            pltpu.sync_copy(idx.at[0, pl.ds(g0, _G)], src_v)
            pltpu.sync_copy(idx.at[1, pl.ds(g0, _G)], dst_v)
            issue(g0, 0, 0)

            def chunk(j, carry2):
                p = lax.rem(j, 2)
                q = 1 - p

                @pl.when(j + 1 < _G)
                def _():
                    @pl.when(j >= 1)
                    def _():
                        wait_scat(j - 1, q)
                    issue(g0 + j + 1, j + 1, q)
                wait_in(j, p)
                scat(j, p)
                return carry2
            lax.fori_loop(0, _G, chunk, 0)
            wait_scat(_G - 2, lax.rem(_G, 2))
            wait_scat(_G - 1, lax.rem(_G - 1, 2))
            return carry
        lax.fori_loop(0, ngrp, group, 0)

        if extra:
            @pl.when(wid < extra)
            def _():
                ce = c0 + bcnt
                pltpu.sync_copy(idx.at[0, pl.ds(ce, 1)],
                                src_v.at[pl.ds(0, 1)])
                pltpu.sync_copy(idx.at[1, pl.ds(ce, 1)],
                                dst_v.at[pl.ds(0, 1)])
                pltpu.sync_copy(x_hbm.at[src_v.at[0, 0]], xrows.at[0])
                pltpu.sync_copy(ef_hbm.at[pl.ds(ce * _CH, _CH)], efrows.at[0])
                pltpu.sync_copy(xrows.at[0], agg_sh.at[dst_v.at[0, 0]],
                                add=True)
                pltpu.sync_copy(efrows.at[0], agg_sh.at[dst_v.at[0, 0]],
                                add=True)

        plsc.subcore_barrier()
        for t in range(nbpt):
            b = s + t * _NS

            @pl.when(b < nb)
            def _():
                pltpu.sync_copy(agg_sh.at[pl.ds(b * _CH, _CH)],
                                out_hbm.at[c, pl.ds(b * _CH, _CH)])
        if nbr:
            @pl.when(s == nb % _NS)
            def _():
                pltpu.sync_copy(agg_sh.at[pl.ds(nb * _CH, nbr)],
                                out_hbm.at[c, pl.ds(nb * _CH, nbr)])

    return k(x, ef, idx_hbm)


def _mlp(x, agg, eps, W1, b1, g1, bt1, W2, b2, g2, bt2):
    N, D = x.shape

    def body(eps_ref, x_ref, a_ref, w1, b1r, g1r, t1r,
             w2, b2r, g2r, t2r, o):
        out = (1.0 + eps_ref[0, 0]) * x_ref[...] + a_ref[0] + a_ref[1]
        h = lax.dot_general(out, w1[...], _DN,
                            preferred_element_type=jnp.float32) + b1r[...]
        mu = jnp.mean(h, axis=0, keepdims=True)
        var = jnp.mean((h - mu) ** 2, axis=0, keepdims=True)
        h = jnp.maximum((h - mu) / jnp.sqrt(var + 1e-5) * g1r[...] + t1r[...],
                        0.0)
        h = lax.dot_general(h, w2[...], _DN,
                            preferred_element_type=jnp.float32) + b2r[...]
        mu = jnp.mean(h, axis=0, keepdims=True)
        var = jnp.mean((h - mu) ** 2, axis=0, keepdims=True)
        o[...] = jnp.maximum(
            (h - mu) / jnp.sqrt(var + 1e-5) * g2r[...] + t2r[...], 0.0)

    vspec = pl.BlockSpec(memory_space=pltpu.VMEM)
    return pl.pallas_call(
        body,
        in_specs=[pl.BlockSpec(memory_space=pltpu.SMEM)] + [vspec] * 10,
        out_specs=vspec,
        out_shape=jax.ShapeDtypeStruct((N, D), jnp.float32),
    )(eps.reshape(1, 1), x, agg, W1,
      b1.reshape(1, D), g1.reshape(1, D), bt1.reshape(1, D), W2,
      b2.reshape(1, D), g2.reshape(1, D), bt2.reshape(1, D))


def kernel(x, edge_index, edge_attr, epsilon, We, be,
           W1, b1, g1, bt1, W2, b2, g2, bt2):
    E = edge_index.shape[1]
    idx4 = edge_index.reshape(2, E // _CH, 1, _CH)
    ef = _edge_embed(edge_attr, We, be)
    agg = _sc_aggregate(x, ef, idx4)
    return _mlp(x, agg, epsilon, W1, b1, g1, bt1, W2, b2, g2, bt2)

# --- scband reference (transcript-rebuilt; emitter-appended) ---
"""Pipeline reference for scband-ginelayer-48009144434788 (READ-ONLY COPY).

The authoritative reference and input builder live on the scoring server;
editing this copy changes nothing except your own understanding.
"""

import jax, jax.numpy as jnp
import numpy as np

N, E, D, DE = 10000, 320000, 128, 16

def _bn(h, g, b):
    mean = jnp.mean(h, axis=0)
    var = jnp.var(h, axis=0)
    return (h - mean) / jnp.sqrt(var + 1e-5) * g + b

def setup_inputs(seed: int = 0) -> dict:
    key = jax.random.key(seed)
    ks = jax.random.split(key, 12)
    x = jax.random.normal(ks[0], (N, D), dtype=jnp.float32)
    edge_index = jax.random.randint(ks[1], (2, E), 0, N, dtype=jnp.int32)
    edge_attr = jax.random.normal(ks[2], (E, DE), dtype=jnp.float32)
    epsilon = jnp.zeros((1,), dtype=jnp.float32)
    We = jax.random.normal(ks[3], (D, DE), dtype=jnp.float32) / np.sqrt(DE)
    be = jnp.zeros((D,), dtype=jnp.float32)
    W1 = jax.random.normal(ks[4], (D, D), dtype=jnp.float32) / np.sqrt(D)
    b1 = jnp.zeros((D,), dtype=jnp.float32)
    g1 = jnp.ones((D,), dtype=jnp.float32)
    bt1 = jnp.zeros((D,), dtype=jnp.float32)
    W2 = jax.random.normal(ks[5], (D, D), dtype=jnp.float32) / np.sqrt(D)
    b2 = jnp.zeros((D,), dtype=jnp.float32)
    g2 = jnp.ones((D,), dtype=jnp.float32)
    bt2 = jnp.zeros((D,), dtype=jnp.float32)
    return {"x": x, "edge_index": edge_index, "edge_attr": edge_attr,
            "epsilon": epsilon, "We": We, "be": be,
            "W1": W1, "b1": b1, "g1": g1, "bt1": bt1,
            "W2": W2, "b2": b2, "g2": g2, "bt2": bt2}

def reference(x, edge_index, edge_attr, epsilon, We, be, W1, b1, g1, bt1, W2, b2, g2, bt2):
    src = edge_index[0]
    dst = edge_index[1]
    # edge_embed: Linear + ReLU
    edge_feat = jax.nn.relu(edge_attr @ We.T + be)
    # messages = x[src] + edge_feat  (gather)
    messages = jnp.take(x, src, axis=0) + edge_feat
    # scatter-add aggregation over dst
    agg = jnp.zeros((x.shape[0], edge_feat.shape[1]), dtype=x.dtype).at[dst].add(messages)
    out = (1.0 + epsilon) * x + agg
    # MLP: Linear -> BN -> ReLU -> Linear -> BN -> ReLU (BN in training mode, batch stats)
    h = out @ W1.T + b1
    h = jax.nn.relu(_bn(h, g1, bt1))
    h = h @ W2.T + b2
    h = jax.nn.relu(_bn(h, g2, bt2))
    return h

if __name__ == "__main__":
    import jax
    _d = setup_inputs()
    print(jax.jit(kernel)(*tuple(_d.values())))

</pallas_src>

<mosaic_0001>
#map = affine_map<(d0, d1) -> (0, 0)>
#map1 = affine_map<(d0, d1) -> (0, 0, 0, 0)>
#map2 = affine_map<(d0, d1) -> (0, 0, 0)>
module attributes {stable_mosaic.version = 14 : i64} {
  func.func @k(%arg0: i32, %arg1: i32, %arg2: memref<10000x128xf32, #tpu.memory_space<hbm>>, %arg3: memref<320000x128xf32, #tpu.memory_space<hbm>>, %arg4: memref<2x5000x1x64xi32, #tpu.memory_space<hbm>>, %arg5: memref<2x10000x128xf32, #tpu.memory_space<hbm>>, %arg6: memref<39x1x64xi32, #tpu.memory_space<vmem>>, %arg7: memref<39x1x64xi32, #tpu.memory_space<vmem>>, %arg8: memref<2x64x128xf32, #tpu.memory_space<vmem>>, %arg9: memref<2x64x128xf32, #tpu.memory_space<vmem>>, %arg10: memref<10000x128xf32, #tpu.memory_space<vmem_shared>>, %arg11: memref<2x!tpu.dma_semaphore, #tpu.memory_space<semaphore_mem>>, %arg12: memref<2x!tpu.dma_semaphore, #tpu.memory_space<semaphore_mem>>, %arg13: memref<2x!tpu.dma_semaphore, #tpu.memory_space<semaphore_mem>>, %arg14: memref<2x!tpu.dma_semaphore, #tpu.memory_space<semaphore_mem>>) attributes {dimension_semantics = [#tpu.dimension_semantics<core_parallel>, #tpu.dimension_semantics<subcore_parallel>], iteration_bounds = array<i64: 2, 16>, scalar_prefetch = 0 : i64, scratch_operands = 9 : i64, tpu.core_type = #tpu.core_type<sc_vector_subcore>, window_params = [{transform_indices = #map}, {transform_indices = #map}, {transform_indices = #map1}, {transform_indices = #map2}]} {
    %mul3A = arith.constant 2 : i32
    %mul3A_0 = arith.muli %arg1, %mul3A : i32
    %add3A = arith.addi %mul3A_0, %arg0 : i32
    %mul3A_1 = arith.constant 156 : i32
    %mul3A_2 = arith.muli %mul3A_1, %add3A : i32
    %min3A = arith.constant 8 : i32
    %min3A_3 = arith.minsi %add3A, %min3A : i32
    %add3A_4 = arith.addi %mul3A_2, %min3A_3 : i32
    %scan3A = arith.constant 0 : i32
    %scan3A_5 = arith.constant 0 : i32
    %scan3A_6 = arith.constant 512 : i32
    %scan3A_7 = arith.addi %scan3A_5, %scan3A_6 : i32
    %scan3A_8 = arith.constant 1 : i32
    scf.for %scan3A_168 = %scan3A_5 to %scan3A_7 step %scan3A_8  : i32 {
      %broadcast_in_dim3A = arith.constant 0.000000e+00 : f32
      %broadcast_in_dim3A_169 = vector.broadcast %broadcast_in_dim3A : f32 to vector<16xf32>
      %jit3A = arith.constant 8 : i32
      %div3A = arith.divsi %scan3A_168, %jit3A : i32
      %sign3A = arith.constant 0 : i32
      %sign3A_170 = arith.cmpi sgt, %scan3A_168, %sign3A : i32
      %sign3A_171 = arith.extui %sign3A_170 : i1 to i32
      %sign3A_172 = arith.constant 0 : i32
      %sign3A_173 = arith.cmpi slt, %scan3A_168, %sign3A_172 : i32
      %sign3A_174 = arith.extui %sign3A_173 : i1 to i32
      %sign3A_175 = arith.subi %sign3A_171, %sign3A_174 : i32
      %sign3A_176 = arith.constant 0 : i32
      %sign3A_177 = arith.cmpi sgt, %jit3A, %sign3A_176 : i32
      %sign3A_178 = arith.extui %sign3A_177 : i1 to i32
      %sign3A_179 = arith.constant 0 : i32
      %sign3A_180 = arith.cmpi slt, %jit3A, %sign3A_179 : i32
      %sign3A_181 = arith.extui %sign3A_180 : i1 to i32
      %sign3A_182 = arith.subi %sign3A_178, %sign3A_181 : i32
      %ne3A = arith.cmpi ne, %sign3A_175, %sign3A_182 : i32
      %rem3A = arith.remsi %scan3A_168, %jit3A : i32
      %ne3A_183 = arith.constant 0 : i32
      %ne3A_184 = arith.cmpi ne, %rem3A, %ne3A_183 : i32
      %and3A = arith.andi %ne3A, %ne3A_184 : i1
      %sub3A = arith.constant 1 : i32
      %sub3A_185 = arith.subi %div3A, %sub3A : i32
      %select_n3A = arith.select %and3A, %sub3A_185, %div3A : i32
      %jit3A_186 = arith.constant 8 : i32
      %eq3A_187 = arith.constant 0 : i32
      %eq3A_188 = arith.cmpi eq, %jit3A_186, %eq3A_187 : i32
      %jit3A_189 = arith.constant 1 : i32
      %select_n3A_190 = arith.select %eq3A_188, %jit3A_189, %jit3A_186 : i32
      %rem3A_191 = arith.remsi %scan3A_168, %select_n3A_190 : i32
      %ne3A_192 = arith.constant 0 : i32
      %ne3A_193 = arith.cmpi ne, %rem3A_191, %ne3A_192 : i32
      %lt3A_194 = arith.constant 0 : i32
      %lt3A_195 = arith.cmpi slt, %rem3A_191, %lt3A_194 : i32
      %lt3A_196 = arith.constant 0 : i32
      %lt3A_197 = arith.cmpi slt, %select_n3A_190, %lt3A_196 : i32
      %ne3A_198 = arith.xori %lt3A_195, %lt3A_197 : i1
      %and3A_199 = arith.andi %ne3A_198, %ne3A_193 : i1
      %add3A_200 = arith.addi %rem3A_191, %select_n3A_190 : i32
      %select_n3A_201 = arith.select %and3A_199, %add3A_200, %rem3A_191 : i32
      %mul3A_202 = arith.constant 16 : i32
      %mul3A_203 = arith.muli %select_n3A_201, %mul3A_202 : i32
      %swap3A = arith.constant 0 : i32
      %swap3A_204 = arith.index_cast %swap3A : i32 to index
      %swap3A_205 = arith.index_cast %select_n3A : i32 to index
      %swap3A_206 = arith.index_cast %mul3A_203 : i32 to index
      %swap3A_207 = tpu.vector_load %arg8[%swap3A_204, %swap3A_205, %swap3A_206] {strides = array<i32>} : memref<2x64x128xf32, #tpu.memory_space<vmem>>, vector<1x1x16xf32>,
      %swap3A_208 = vector.shape_cast %swap3A_207 : vector<1x1x16xf32> to vector<16xf32>
      %swap3A_209 = vector.shape_cast %broadcast_in_dim3A_169 : vector<16xf32> to vector<1x1x16xf32>
      tpu.vector_store %arg8[%swap3A_204, %swap3A_205, %swap3A_206], %swap3A_209 {strides = array<i32>} : memref<2x64x128xf32, #tpu.memory_space<vmem>>, vector<1x1x16xf32>,
    }
    %scan3A_9 = arith.constant 512 : i32
    %add3A_10 = arith.constant 0 : i32
    %add3A_11 = arith.addi %arg1, %add3A_10 : i32
    %lt3A = arith.constant 156 : i32
    %lt3A_12 = arith.cmpi slt, %add3A_11, %lt3A : i32
    %convert_element_type3A = arith.extui %lt3A_12 : i1 to i32
    %cond3A = arith.constant 0 : i32
    %cond3A_13 = arith.cmpi ne, %convert_element_type3A, %cond3A : i32
    scf.if %cond3A_13 {
      %mul3A_168 = arith.constant 64 : i32
      %mul3A_169 = arith.muli %add3A_11, %mul3A_168 : i32
      %run_scoped3A = arith.constant 0 : i32
      "tpu.region"() ({
        %run_scoped3A_170 = tpu.sem_alloc : memref<!tpu.dma_semaphore, #tpu.memory_space<semaphore_mem>>
        %dma_start3A = arith.constant 0 : i32
        %dma_start3A_171 = arith.constant 0 : i32
        %dma_start3A_172 = tpu.memref_slice %arg8[%run_scoped3A, %dma_start3A, %dma_start3A_171] : memref<2x64x128xf32, #tpu.memory_space<vmem>> -> memref<1x64x128xf32, #tpu.memory_space<vmem>>
        %dma_start3A_173 = tpu.memref_squeeze %dma_start3A_172 : memref<1x64x128xf32, #tpu.memory_space<vmem>> -> memref<64x128xf32, #tpu.memory_space<vmem>>
        %dma_start3A_174 = arith.constant 0 : i32
        %dma_start3A_175 = tpu.memref_slice %arg10[%mul3A_169, %dma_start3A_174] : memref<10000x128xf32, #tpu.memory_space<vmem_shared>> -> memref<64x128xf32, #tpu.memory_space<vmem_shared>>
        %dma_start3A_176 = arith.constant 0 : i32
        %dma_start3A_177 = tpu.memref_slice %arg10[%mul3A_169, %dma_start3A_176] : memref<10000x128xf32, #tpu.memory_space<vmem_shared>> -> memref<64x128xf32, #tpu.memory_space<vmem_shared>>
        %dma_start3A_178 = arith.constant 0 : i32
        %dma_start3A_179 = arith.constant 0 : i32
        %dma_start3A_180 = tpu.memref_slice %arg8[%run_scoped3A, %dma_start3A_178, %dma_start3A_179] : memref<2x64x128xf32, #tpu.memory_space<vmem>> -> memref<1x64x128xf32, #tpu.memory_space<vmem>>
        %dma_start3A_181 = tpu.memref_squeeze %dma_start3A_180 : memref<1x64x128xf32, #tpu.memory_space<vmem>> -> memref<64x128xf32, #tpu.memory_space<vmem>>
        tpu.enqueue_dma source(%dma_start3A_181 : memref<64x128xf32, #tpu.memory_space<vmem>>) target(%dma_start3A_177 : memref<64x128xf32, #tpu.memory_space<vmem_shared>>) target_semaphore(%run_scoped3A_170 : memref<!tpu.dma_semaphore, #tpu.memory_space<semaphore_mem>>)
        %dma_wait3A = arith.constant 0 : i32
        %dma_wait3A_182 = arith.constant 0 : i32
        %dma_wait3A_183 = tpu.memref_slice %arg8[%run_scoped3A, %dma_wait3A, %dma_wait3A_182] : memref<2x64x128xf32, #tpu.memory_space<vmem>> -> memref<1x64x128xf32, #tpu.memory_space<vmem>>
        %dma_wait3A_184 = tpu.memref_squeeze %dma_wait3A_183 : memref<1x64x128xf32, #tpu.memory_space<vmem>> -> memref<64x128xf32, #tpu.memory_space<vmem>>
        %dma_wait3A_185 = arith.constant 0 : i32
        %dma_wait3A_186 = tpu.memref_slice %arg10[%mul3A_169, %dma_wait3A_185] : memref<10000x128xf32, #tpu.memory_space<vmem_shared>> -> memref<64x128xf32, #tpu.memory_space<vmem_shared>>
        %dma_wait3A_187 = arith.constant 0 : i32
        %dma_wait3A_188 = tpu.memref_slice %arg10[%mul3A_169, %dma_wait3A_187] : memref<10000x128xf32, #tpu.memory_space<vmem_shared>> -> memref<64x128xf32, #tpu.memory_space<vmem_shared>>
        %dma_wait3A_189 = arith.constant 0 : i32
        %dma_wait3A_190 = arith.constant 0 : i32
        %dma_wait3A_191 = tpu.memref_slice %arg8[%run_scoped3A, %dma_wait3A_189, %dma_wait3A_190] : memref<2x64x128xf32, #tpu.memory_space<vmem>> -> memref<1x64x128xf32, #tpu.memory_space<vmem>>
        %dma_wait3A_192 = tpu.memref_squeeze %dma_wait3A_191 : memref<1x64x128xf32, #tpu.memory_space<vmem>> -> memref<64x128xf32, #tpu.memory_space<vmem>>
        tpu.wait_dma2 semaphore(%run_scoped3A_170 : memref<!tpu.dma_semaphore, #tpu.memory_space<semaphore_mem>>) src(%dma_wait3A_192 : memref<64x128xf32, #tpu.memory_space<vmem>>) dst(%dma_wait3A_188 : memref<64x128xf32, #tpu.memory_space<vmem_shared>>)
        tpu.yield
      }) : () -> ()
    } else {
    }
    %add3A_14 = arith.constant 16 : i32
    %add3A_15 = arith.addi %arg1, %add3A_14 : i32
    %lt3A_16 = arith.constant 156 : i32
    %lt3A_17 = arith.cmpi slt, %add3A_15, %lt3A_16 : i32
    %convert_element_type3A_18 = arith.extui %lt3A_17 : i1 to i32
    %cond3A_19 = arith.constant 0 : i32
    %cond3A_20 = arith.cmpi ne, %convert_element_type3A_18, %cond3A_19 : i32
    scf.if %cond3A_20 {
      %mul3A_168 = arith.constant 64 : i32
      %mul3A_169 = arith.muli %add3A_15, %mul3A_168 : i32
      %run_scoped3A = arith.constant 0 : i32
      "tpu.region"() ({
        %run_scoped3A_170 = tpu.sem_alloc : memref<!tpu.dma_semaphore, #tpu.memory_space<semaphore_mem>>
        %dma_start3A = arith.constant 0 : i32
        %dma_start3A_171 = arith.constant 0 : i32
        %dma_start3A_172 = tpu.memref_slice %arg8[%run_scoped3A, %dma_start3A, %dma_start3A_171] : memref<2x64x128xf32, #tpu.memory_space<vmem>> -> memref<1x64x128xf32, #tpu.memory_space<vmem>>
        %dma_start3A_173 = tpu.memref_squeeze %dma_start3A_172 : memref<1x64x128xf32, #tpu.memory_space<vmem>> -> memref<64x128xf32, #tpu.memory_space<vmem>>
        %dma_start3A_174 = arith.constant 0 : i32
        %dma_start3A_175 = tpu.memref_slice %arg10[%mul3A_169, %dma_start3A_174] : memref<10000x128xf32, #tpu.memory_space<vmem_shared>> -> memref<64x128xf32, #tpu.memory_space<vmem_shared>>
        %dma_start3A_176 = arith.constant 0 : i32
        %dma_start3A_177 = tpu.memref_slice %arg10[%mul3A_169, %dma_start3A_176] : memref<10000x128xf32, #tpu.memory_space<vmem_shared>> -> memref<64x128xf32, #tpu.memory_space<vmem_shared>>
        %dma_start3A_178 = arith.constant 0 : i32
        %dma_start3A_179 = arith.constant 0 : i32
        %dma_start3A_180 = tpu.memref_slice %arg8[%run_scoped3A, %dma_start3A_178, %dma_start3A_179] : memref<2x64x128xf32, #tpu.memory_space<vmem>> -> memref<1x64x128xf32, #tpu.memory_space<vmem>>
        %dma_start3A_181 = tpu.memref_squeeze %dma_start3A_180 : memref<1x64x128xf32, #tpu.memory_space<vmem>> -> memref<64x128xf32, #tpu.memory_space<vmem>>
        tpu.enqueue_dma source(%dma_start3A_181 : memref<64x128xf32, #tpu.memory_space<vmem>>) target(%dma_start3A_177 : memref<64x128xf32, #tpu.memory_space<vmem_shared>>) target_semaphore(%run_scoped3A_170 : memref<!tpu.dma_semaphore, #tpu.memory_space<semaphore_mem>>)
        %dma_wait3A = arith.constant 0 : i32
        %dma_wait3A_182 = arith.constant 0 : i32
        %dma_wait3A_183 = tpu.memref_slice %arg8[%run_scoped3A, %dma_wait3A, %dma_wait3A_182] : memref<2x64x128xf32, #tpu.memory_space<vmem>> -> memref<1x64x128xf32, #tpu.memory_space<vmem>>
        %dma_wait3A_184 = tpu.memref_squeeze %dma_wait3A_183 : memref<1x64x128xf32, #tpu.memory_space<vmem>> -> memref<64x128xf32, #tpu.memory_space<vmem>>
        %dma_wait3A_185 = arith.constant 0 : i32
        %dma_wait3A_186 = tpu.memref_slice %arg10[%mul3A_169, %dma_wait3A_185] : memref<10000x128xf32, #tpu.memory_space<vmem_shared>> -> memref<64x128xf32, #tpu.memory_space<vmem_shared>>
        %dma_wait3A_187 = arith.constant 0 : i32
        %dma_wait3A_188 = tpu.memref_slice %arg10[%mul3A_169, %dma_wait3A_187] : memref<10000x128xf32, #tpu.memory_space<vmem_shared>> -> memref<64x128xf32, #tpu.memory_space<vmem_shared>>
        %dma_wait3A_189 = arith.constant 0 : i32
        %dma_wait3A_190 = arith.constant 0 : i32
        %dma_wait3A_191 = tpu.memref_slice %arg8[%run_scoped3A, %dma_wait3A_189, %dma_wait3A_190] : memref<2x64x128xf32, #tpu.memory_space<vmem>> -> memref<1x64x128xf32, #tpu.memory_space<vmem>>
        %dma_wait3A_192 = tpu.memref_squeeze %dma_wait3A_191 : memref<1x64x128xf32, #tpu.memory_space<vmem>> -> memref<64x128xf32, #tpu.memory_space<vmem>>
        tpu.wait_dma2 semaphore(%run_scoped3A_170 : memref<!tpu.dma_semaphore, #tpu.memory_space<semaphore_mem>>) src(%dma_wait3A_192 : memref<64x128xf32, #tpu.memory_space<vmem>>) dst(%dma_wait3A_188 : memref<64x128xf32, #tpu.memory_space<vmem_shared>>)
        tpu.yield
      }) : () -> ()
    } else {
    }
    %add3A_21 = arith.constant 32 : i32
    %add3A_22 = arith.addi %arg1, %add3A_21 : i32
    %lt3A_23 = arith.constant 156 : i32
    %lt3A_24 = arith.cmpi slt, %add3A_22, %lt3A_23 : i32
    %convert_element_type3A_25 = arith.extui %lt3A_24 : i1 to i32
    %cond3A_26 = arith.constant 0 : i32
    %cond3A_27 = arith.cmpi ne, %convert_element_type3A_25, %cond3A_26 : i32
    scf.if %cond3A_27 {
      %mul3A_168 = arith.constant 64 : i32
      %mul3A_169 = arith.muli %add3A_22, %mul3A_168 : i32
      %run_scoped3A = arith.constant 0 : i32
      "tpu.region"() ({
        %run_scoped3A_170 = tpu.sem_alloc : memref<!tpu.dma_semaphore, #tpu.memory_space<semaphore_mem>>
        %dma_start3A = arith.constant 0 : i32
        %dma_start3A_171 = arith.constant 0 : i32
        %dma_start3A_172 = tpu.memref_slice %arg8[%run_scoped3A, %dma_start3A, %dma_start3A_171] : memref<2x64x128xf32, #tpu.memory_space<vmem>> -> memref<1x64x128xf32, #tpu.memory_space<vmem>>
        %dma_start3A_173 = tpu.memref_squeeze %dma_start3A_172 : memref<1x64x128xf32, #tpu.memory_space<vmem>> -> memref<64x128xf32, #tpu.memory_space<vmem>>
        %dma_start3A_174 = arith.constant 0 : i32
        %dma_start3A_175 = tpu.memref_slice %arg10[%mul3A_169, %dma_start3A_174] : memref<10000x128xf32, #tpu.memory_space<vmem_shared>> -> memref<64x128xf32, #tpu.memory_space<vmem_shared>>
        %dma_start3A_176 = arith.constant 0 : i32
        %dma_start3A_177 = tpu.memref_slice %arg10[%mul3A_169, %dma_start3A_176] : memref<10000x128xf32, #tpu.memory_space<vmem_shared>> -> memref<64x128xf32, #tpu.memory_space<vmem_shared>>
        %dma_start3A_178 = arith.constant 0 : i32
        %dma_start3A_179 = arith.constant 0 : i32
        %dma_start3A_180 = tpu.memref_slice %arg8[%run_scoped3A, %dma_start3A_178, %dma_start3A_179] : memref<2x64x128xf32, #tpu.memory_space<vmem>> -> memref<1x64x128xf32, #tpu.memory_space<vmem>>
        %dma_start3A_181 = tpu.memref_squeeze %dma_start3A_180 : memref<1x64x128xf32, #tpu.memory_space<vmem>> -> memref<64x128xf32, #tpu.memory_space<vmem>>
        tpu.enqueue_dma source(%dma_start3A_181 : memref<64x128xf32, #tpu.memory_space<vmem>>) target(%dma_start3A_177 : memref<64x128xf32, #tpu.memory_space<vmem_shared>>) target_semaphore(%run_scoped3A_170 : memref<!tpu.dma_semaphore, #tpu.memory_space<semaphore_mem>>)
        %dma_wait3A = arith.constant 0 : i32
        %dma_wait3A_182 = arith.constant 0 : i32
        %dma_wait3A_183 = tpu.memref_slice %arg8[%run_scoped3A, %dma_wait3A, %dma_wait3A_182] : memref<2x64x128xf32, #tpu.memory_space<vmem>> -> memref<1x64x128xf32, #tpu.memory_space<vmem>>
        %dma_wait3A_184 = tpu.memref_squeeze %dma_wait3A_183 : memref<1x64x128xf32, #tpu.memory_space<vmem>> -> memref<64x128xf32, #tpu.memory_space<vmem>>
        %dma_wait3A_185 = arith.constant 0 : i32
        %dma_wait3A_186 = tpu.memref_slice %arg10[%mul3A_169, %dma_wait3A_185] : memref<10000x128xf32, #tpu.memory_space<vmem_shared>> -> memref<64x128xf32, #tpu.memory_space<vmem_shared>>
        %dma_wait3A_187 = arith.constant 0 : i32
        %dma_wait3A_188 = tpu.memref_slice %arg10[%mul3A_169, %dma_wait3A_187] : memref<10000x128xf32, #tpu.memory_space<vmem_shared>> -> memref<64x128xf32, #tpu.memory_space<vmem_shared>>
        %dma_wait3A_189 = arith.constant 0 : i32
        %dma_wait3A_190 = arith.constant 0 : i32
        %dma_wait3A_191 = tpu.memref_slice %arg8[%run_scoped3A, %dma_wait3A_189, %dma_wait3A_190] : memref<2x64x128xf32, #tpu.memory_space<vmem>> -> memref<1x64x128xf32, #tpu.memory_space<vmem>>
        %dma_wait3A_192 = tpu.memref_squeeze %dma_wait3A_191 : memref<1x64x128xf32, #tpu.memory_space<vmem>> -> memref<64x128xf32, #tpu.memory_space<vmem>>
        tpu.wait_dma2 semaphore(%run_scoped3A_170 : memref<!tpu.dma_semaphore, #tpu.memory_space<semaphore_mem>>) src(%dma_wait3A_192 : memref<64x128xf32, #tpu.memory_space<vmem>>) dst(%dma_wait3A_188 : memref<64x128xf32, #tpu.memory_space<vmem_shared>>)
        tpu.yield
      }) : () -> ()
    } else {
    }
    %add3A_28 = arith.constant 48 : i32
    %add3A_29 = arith.addi %arg1, %add3A_28 : i32
    %lt3A_30 = arith.constant 156 : i32
    %lt3A_31 = arith.cmpi slt, %add3A_29, %lt3A_30 : i32
    %convert_element_type3A_32 = arith.extui %lt3A_31 : i1 to i32
    %cond3A_33 = arith.constant 0 : i32
    %cond3A_34 = arith.cmpi ne, %convert_element_type3A_32, %cond3A_33 : i32
    scf.if %cond3A_34 {
      %mul3A_168 = arith.constant 64 : i32
      %mul3A_169 = arith.muli %add3A_29, %mul3A_168 : i32
      %run_scoped3A = arith.constant 0 : i32
      "tpu.region"() ({
        %run_scoped3A_170 = tpu.sem_alloc : memref<!tpu.dma_semaphore, #tpu.memory_space<semaphore_mem>>
        %dma_start3A = arith.constant 0 : i32
        %dma_start3A_171 = arith.constant 0 : i32
        %dma_start3A_172 = tpu.memref_slice %arg8[%run_scoped3A, %dma_start3A, %dma_start3A_171] : memref<2x64x128xf32, #tpu.memory_space<vmem>> -> memref<1x64x128xf32, #tpu.memory_space<vmem>>
        %dma_start3A_173 = tpu.memref_squeeze %dma_start3A_172 : memref<1x64x128xf32, #tpu.memory_space<vmem>> -> memref<64x128xf32, #tpu.memory_space<vmem>>
        %dma_start3A_174 = arith.constant 0 : i32
        %dma_start3A_175 = tpu.memref_slice %arg10[%mul3A_169, %dma_start3A_174] : memref<10000x128xf32, #tpu.memory_space<vmem_shared>> -> memref<64x128xf32, #tpu.memory_space<vmem_shared>>
        %dma_start3A_176 = arith.constant 0 : i32
        %dma_start3A_177 = tpu.memref_slice %arg10[%mul3A_169, %dma_start3A_176] : memref<10000x128xf32, #tpu.memory_space<vmem_shared>> -> memref<64x128xf32, #tpu.memory_space<vmem_shared>>
        %dma_start3A_178 = arith.constant 0 : i32
        %dma_start3A_179 = arith.constant 0 : i32
        %dma_start3A_180 = tpu.memref_slice %arg8[%run_scoped3A, %dma_start3A_178, %dma_start3A_179] : memref<2x64x128xf32, #tpu.memory_space<vmem>> -> memref<1x64x128xf32, #tpu.memory_space<vmem>>
        %dma_start3A_181 = tpu.memref_squeeze %dma_start3A_180 : memref<1x64x128xf32, #tpu.memory_space<vmem>> -> memref<64x128xf32, #tpu.memory_space<vmem>>
        tpu.enqueue_dma source(%dma_start3A_181 : memref<64x128xf32, #tpu.memory_space<vmem>>) target(%dma_start3A_177 : memref<64x128xf32, #tpu.memory_space<vmem_shared>>) target_semaphore(%run_scoped3A_170 : memref<!tpu.dma_semaphore, #tpu.memory_space<semaphore_mem>>)
        %dma_wait3A = arith.constant 0 : i32
        %dma_wait3A_182 = arith.constant 0 : i32
        %dma_wait3A_183 = tpu.memref_slice %arg8[%run_scoped3A, %dma_wait3A, %dma_wait3A_182] : memref<2x64x128xf32, #tpu.memory_space<vmem>> -> memref<1x64x128xf32, #tpu.memory_space<vmem>>
        %dma_wait3A_184 = tpu.memref_squeeze %dma_wait3A_183 : memref<1x64x128xf32, #tpu.memory_space<vmem>> -> memref<64x128xf32, #tpu.memory_space<vmem>>
        %dma_wait3A_185 = arith.constant 0 : i32
        %dma_wait3A_186 = tpu.memref_slice %arg10[%mul3A_169, %dma_wait3A_185] : memref<10000x128xf32, #tpu.memory_space<vmem_shared>> -> memref<64x128xf32, #tpu.memory_space<vmem_shared>>
        %dma_wait3A_187 = arith.constant 0 : i32
        %dma_wait3A_188 = tpu.memref_slice %arg10[%mul3A_169, %dma_wait3A_187] : memref<10000x128xf32, #tpu.memory_space<vmem_shared>> -> memref<64x128xf32, #tpu.memory_space<vmem_shared>>
        %dma_wait3A_189 = arith.constant 0 : i32
        %dma_wait3A_190 = arith.constant 0 : i32
        %dma_wait3A_191 = tpu.memref_slice %arg8[%run_scoped3A, %dma_wait3A_189, %dma_wait3A_190] : memref<2x64x128xf32, #tpu.memory_space<vmem>> -> memref<1x64x128xf32, #tpu.memory_space<vmem>>
        %dma_wait3A_192 = tpu.memref_squeeze %dma_wait3A_191 : memref<1x64x128xf32, #tpu.memory_space<vmem>> -> memref<64x128xf32, #tpu.memory_space<vmem>>
        tpu.wait_dma2 semaphore(%run_scoped3A_170 : memref<!tpu.dma_semaphore, #tpu.memory_space<semaphore_mem>>) src(%dma_wait3A_192 : memref<64x128xf32, #tpu.memory_space<vmem>>) dst(%dma_wait3A_188 : memref<64x128xf32, #tpu.memory_space<vmem_shared>>)
        tpu.yield
      }) : () -> ()
    } else {
    }
    %add3A_35 = arith.constant 64 : i32
    %add3A_36 = arith.addi %arg1, %add3A_35 : i32
    %lt3A_37 = arith.constant 156 : i32
    %lt3A_38 = arith.cmpi slt, %add3A_36, %lt3A_37 : i32
    %convert_element_type3A_39 = arith.extui %lt3A_38 : i1 to i32
    %cond3A_40 = arith.constant 0 : i32
    %cond3A_41 = arith.cmpi ne, %convert_element_type3A_39, %cond3A_40 : i32
    scf.if %cond3A_41 {
      %mul3A_168 = arith.constant 64 : i32
      %mul3A_169 = arith.muli %add3A_36, %mul3A_168 : i32
      %run_scoped3A = arith.constant 0 : i32
      "tpu.region"() ({
        %run_scoped3A_170 = tpu.sem_alloc : memref<!tpu.dma_semaphore, #tpu.memory_space<semaphore_mem>>
        %dma_start3A = arith.constant 0 : i32
        %dma_start3A_171 = arith.constant 0 : i32
        %dma_start3A_172 = tpu.memref_slice %arg8[%run_scoped3A, %dma_start3A, %dma_start3A_171] : memref<2x64x128xf32, #tpu.memory_space<vmem>> -> memref<1x64x128xf32, #tpu.memory_space<vmem>>
        %dma_start3A_173 = tpu.memref_squeeze %dma_start3A_172 : memref<1x64x128xf32, #tpu.memory_space<vmem>> -> memref<64x128xf32, #tpu.memory_space<vmem>>
        %dma_start3A_174 = arith.constant 0 : i32
        %dma_start3A_175 = tpu.memref_slice %arg10[%mul3A_169, %dma_start3A_174] : memref<10000x128xf32, #tpu.memory_space<vmem_shared>> -> memref<64x128xf32, #tpu.memory_space<vmem_shared>>
        %dma_start3A_176 = arith.constant 0 : i32
        %dma_start3A_177 = tpu.memref_slice %arg10[%mul3A_169, %dma_start3A_176] : memref<10000x128xf32, #tpu.memory_space<vmem_shared>> -> memref<64x128xf32, #tpu.memory_space<vmem_shared>>
        %dma_start3A_178 = arith.constant 0 : i32
        %dma_start3A_179 = arith.constant 0 : i32
        %dma_start3A_180 = tpu.memref_slice %arg8[%run_scoped3A, %dma_start3A_178, %dma_start3A_179] : memref<2x64x128xf32, #tpu.memory_space<vmem>> -> memref<1x64x128xf32, #tpu.memory_space<vmem>>
        %dma_start3A_181 = tpu.memref_squeeze %dma_start3A_180 : memref<1x64x128xf32, #tpu.memory_space<vmem>> -> memref<64x128xf32, #tpu.memory_space<vmem>>
        tpu.enqueue_dma source(%dma_start3A_181 : memref<64x128xf32, #tpu.memory_space<vmem>>) target(%dma_start3A_177 : memref<64x128xf32, #tpu.memory_space<vmem_shared>>) target_semaphore(%run_scoped3A_170 : memref<!tpu.dma_semaphore, #tpu.memory_space<semaphore_mem>>)
        %dma_wait3A = arith.constant 0 : i32
        %dma_wait3A_182 = arith.constant 0 : i32
        %dma_wait3A_183 = tpu.memref_slice %arg8[%run_scoped3A, %dma_wait3A, %dma_wait3A_182] : memref<2x64x128xf32, #tpu.memory_space<vmem>> -> memref<1x64x128xf32, #tpu.memory_space<vmem>>
        %dma_wait3A_184 = tpu.memref_squeeze %dma_wait3A_183 : memref<1x64x128xf32, #tpu.memory_space<vmem>> -> memref<64x128xf32, #tpu.memory_space<vmem>>
        %dma_wait3A_185 = arith.constant 0 : i32
        %dma_wait3A_186 = tpu.memref_slice %arg10[%mul3A_169, %dma_wait3A_185] : memref<10000x128xf32, #tpu.memory_space<vmem_shared>> -> memref<64x128xf32, #tpu.memory_space<vmem_shared>>
        %dma_wait3A_187 = arith.constant 0 : i32
        %dma_wait3A_188 = tpu.memref_slice %arg10[%mul3A_169, %dma_wait3A_187] : memref<10000x128xf32, #tpu.memory_space<vmem_shared>> -> memref<64x128xf32, #tpu.memory_space<vmem_shared>>
        %dma_wait3A_189 = arith.constant 0 : i32
        %dma_wait3A_190 = arith.constant 0 : i32
        %dma_wait3A_191 = tpu.memref_slice %arg8[%run_scoped3A, %dma_wait3A_189, %dma_wait3A_190] : memref<2x64x128xf32, #tpu.memory_space<vmem>> -> memref<1x64x128xf32, #tpu.memory_space<vmem>>
        %dma_wait3A_192 = tpu.memref_squeeze %dma_wait3A_191 : memref<1x64x128xf32, #tpu.memory_space<vmem>> -> memref<64x128xf32, #tpu.memory_space<vmem>>
        tpu.wait_dma2 semaphore(%run_scoped3A_170 : memref<!tpu.dma_semaphore, #tpu.memory_space<semaphore_mem>>) src(%dma_wait3A_192 : memref<64x128xf32, #tpu.memory_space<vmem>>) dst(%dma_wait3A_188 : memref<64x128xf32, #tpu.memory_space<vmem_shared>>)
        tpu.yield
      }) : () -> ()
    } else {
    }
    %add3A_42 = arith.constant 80 : i32
    %add3A_43 = arith.addi %arg1, %add3A_42 : i32
    %lt3A_44 = arith.constant 156 : i32
    %lt3A_45 = arith.cmpi slt, %add3A_43, %lt3A_44 : i32
    %convert_element_type3A_46 = arith.extui %lt3A_45 : i1 to i32
    %cond3A_47 = arith.constant 0 : i32
    %cond3A_48 = arith.cmpi ne, %convert_element_type3A_46, %cond3A_47 : i32
    scf.if %cond3A_48 {
      %mul3A_168 = arith.constant 64 : i32
      %mul3A_169 = arith.muli %add3A_43, %mul3A_168 : i32
      %run_scoped3A = arith.constant 0 : i32
      "tpu.region"() ({
        %run_scoped3A_170 = tpu.sem_alloc : memref<!tpu.dma_semaphore, #tpu.memory_space<semaphore_mem>>
        %dma_start3A = arith.constant 0 : i32
        %dma_start3A_171 = arith.constant 0 : i32
        %dma_start3A_172 = tpu.memref_slice %arg8[%run_scoped3A, %dma_start3A, %dma_start3A_171] : memref<2x64x128xf32, #tpu.memory_space<vmem>> -> memref<1x64x128xf32, #tpu.memory_space<vmem>>
        %dma_start3A_173 = tpu.memref_squeeze %dma_start3A_172 : memref<1x64x128xf32, #tpu.memory_space<vmem>> -> memref<64x128xf32, #tpu.memory_space<vmem>>
        %dma_start3A_174 = arith.constant 0 : i32
        %dma_start3A_175 = tpu.memref_slice %arg10[%mul3A_169, %dma_start3A_174] : memref<10000x128xf32, #tpu.memory_space<vmem_shared>> -> memref<64x128xf32, #tpu.memory_space<vmem_shared>>
        %dma_start3A_176 = arith.constant 0 : i32
        %dma_start3A_177 = tpu.memref_slice %arg10[%mul3A_169, %dma_start3A_176] : memref<10000x128xf32, #tpu.memory_space<vmem_shared>> -> memref<64x128xf32, #tpu.memory_space<vmem_shared>>
        %dma_start3A_178 = arith.constant 0 : i32
        %dma_start3A_179 = arith.constant 0 : i32
        %dma_start3A_180 = tpu.memref_slice %arg8[%run_scoped3A, %dma_start3A_178, %dma_start3A_179] : memref<2x64x128xf32, #tpu.memory_space<vmem>> -> memref<1x64x128xf32, #tpu.memory_space<vmem>>
        %dma_start3A_181 = tpu.memref_squeeze %dma_start3A_180 : memref<1x64x128xf32, #tpu.memory_space<vmem>> -> memref<64x128xf32, #tpu.memory_space<vmem>>
        tpu.enqueue_dma source(%dma_start3A_181 : memref<64x128xf32, #tpu.memory_space<vmem>>) target(%dma_start3A_177 : memref<64x128xf32, #tpu.memory_space<vmem_shared>>) target_semaphore(%run_scoped3A_170 : memref<!tpu.dma_semaphore, #tpu.memory_space<semaphore_mem>>)
        %dma_wait3A = arith.constant 0 : i32
        %dma_wait3A_182 = arith.constant 0 : i32
        %dma_wait3A_183 = tpu.memref_slice %arg8[%run_scoped3A, %dma_wait3A, %dma_wait3A_182] : memref<2x64x128xf32, #tpu.memory_space<vmem>> -> memref<1x64x128xf32, #tpu.memory_space<vmem>>
        %dma_wait3A_184 = tpu.memref_squeeze %dma_wait3A_183 : memref<1x64x128xf32, #tpu.memory_space<vmem>> -> memref<64x128xf32, #tpu.memory_space<vmem>>
        %dma_wait3A_185 = arith.constant 0 : i32
        %dma_wait3A_186 = tpu.memref_slice %arg10[%mul3A_169, %dma_wait3A_185] : memref<10000x128xf32, #tpu.memory_space<vmem_shared>> -> memref<64x128xf32, #tpu.memory_space<vmem_shared>>
        %dma_wait3A_187 = arith.constant 0 : i32
        %dma_wait3A_188 = tpu.memref_slice %arg10[%mul3A_169, %dma_wait3A_187] : memref<10000x128xf32, #tpu.memory_space<vmem_shared>> -> memref<64x128xf32, #tpu.memory_space<vmem_shared>>
        %dma_wait3A_189 = arith.constant 0 : i32
        %dma_wait3A_190 = arith.constant 0 : i32
        %dma_wait3A_191 = tpu.memref_slice %arg8[%run_scoped3A, %dma_wait3A_189, %dma_wait3A_190] : memref<2x64x128xf32, #tpu.memory_space<vmem>> -> memref<1x64x128xf32, #tpu.memory_space<vmem>>
        %dma_wait3A_192 = tpu.memref_squeeze %dma_wait3A_191 : memref<1x64x128xf32, #tpu.memory_space<vmem>> -> memref<64x128xf32, #tpu.memory_space<vmem>>
        tpu.wait_dma2 semaphore(%run_scoped3A_170 : memref<!tpu.dma_semaphore, #tpu.memory_space<semaphore_mem>>) src(%dma_wait3A_192 : memref<64x128xf32, #tpu.memory_space<vmem>>) dst(%dma_wait3A_188 : memref<64x128xf32, #tpu.memory_space<vmem_shared>>)
        tpu.yield
      }) : () -> ()
    } else {
    }
    %add3A_49 = arith.constant 96 : i32
    %add3A_50 = arith.addi %arg1, %add3A_49 : i32
    %lt3A_51 = arith.constant 156 : i32
    %lt3A_52 = arith.cmpi slt, %add3A_50, %lt3A_51 : i32
    %convert_element_type3A_53 = arith.extui %lt3A_52 : i1 to i32
    %cond3A_54 = arith.constant 0 : i32
    %cond3A_55 = arith.cmpi ne, %convert_element_type3A_53, %cond3A_54 : i32
    scf.if %cond3A_55 {
      %mul3A_168 = arith.constant 64 : i32
      %mul3A_169 = arith.muli %add3A_50, %mul3A_168 : i32
      %run_scoped3A = arith.constant 0 : i32
      "tpu.region"() ({
        %run_scoped3A_170 = tpu.sem_alloc : memref<!tpu.dma_semaphore, #tpu.memory_space<semaphore_mem>>
        %dma_start3A = arith.constant 0 : i32
        %dma_start3A_171 = arith.constant 0 : i32
        %dma_start3A_172 = tpu.memref_slice %arg8[%run_scoped3A, %dma_start3A, %dma_start3A_171] : memref<2x64x128xf32, #tpu.memory_space<vmem>> -> memref<1x64x128xf32, #tpu.memory_space<vmem>>
        %dma_start3A_173 = tpu.memref_squeeze %dma_start3A_172 : memref<1x64x128xf32, #tpu.memory_space<vmem>> -> memref<64x128xf32, #tpu.memory_space<vmem>>
        %dma_start3A_174 = arith.constant 0 : i32
        %dma_start3A_175 = tpu.memref_slice %arg10[%mul3A_169, %dma_start3A_174] : memref<10000x128xf32, #tpu.memory_space<vmem_shared>> -> memref<64x128xf32, #tpu.memory_space<vmem_shared>>
        %dma_start3A_176 = arith.constant 0 : i32
        %dma_start3A_177 = tpu.memref_slice %arg10[%mul3A_169, %dma_start3A_176] : memref<10000x128xf32, #tpu.memory_space<vmem_shared>> -> memref<64x128xf32, #tpu.memory_space<vmem_shared>>
        %dma_start3A_178 = arith.constant 0 : i32
        %dma_start3A_179 = arith.constant 0 : i32
        %dma_start3A_180 = tpu.memref_slice %arg8[%run_scoped3A, %dma_start3A_178, %dma_start3A_179] : memref<2x64x128xf32, #tpu.memory_space<vmem>> -> memref<1x64x128xf32, #tpu.memory_space<vmem>>
        %dma_start3A_181 = tpu.memref_squeeze %dma_start3A_180 : memref<1x64x128xf32, #tpu.memory_space<vmem>> -> memref<64x128xf32, #tpu.memory_space<vmem>>
        tpu.enqueue_dma source(%dma_start3A_181 : memref<64x128xf32, #tpu.memory_space<vmem>>) target(%dma_start3A_177 : memref<64x128xf32, #tpu.memory_space<vmem_shared>>) target_semaphore(%run_scoped3A_170 : memref<!tpu.dma_semaphore, #tpu.memory_space<semaphore_mem>>)
        %dma_wait3A = arith.constant 0 : i32
        %dma_wait3A_182 = arith.constant 0 : i32
        %dma_wait3A_183 = tpu.memref_slice %arg8[%run_scoped3A, %dma_wait3A, %dma_wait3A_182] : memref<2x64x128xf32, #tpu.memory_space<vmem>> -> memref<1x64x128xf32, #tpu.memory_space<vmem>>
        %dma_wait3A_184 = tpu.memref_squeeze %dma_wait3A_183 : memref<1x64x128xf32, #tpu.memory_space<vmem>> -> memref<64x128xf32, #tpu.memory_space<vmem>>
        %dma_wait3A_185 = arith.constant 0 : i32
        %dma_wait3A_186 = tpu.memref_slice %arg10[%mul3A_169, %dma_wait3A_185] : memref<10000x128xf32, #tpu.memory_space<vmem_shared>> -> memref<64x128xf32, #tpu.memory_space<vmem_shared>>
        %dma_wait3A_187 = arith.constant 0 : i32
        %dma_wait3A_188 = tpu.memref_slice %arg10[%mul3A_169, %dma_wait3A_187] : memref<10000x128xf32, #tpu.memory_space<vmem_shared>> -> memref<64x128xf32, #tpu.memory_space<vmem_shared>>
        %dma_wait3A_189 = arith.constant 0 : i32
        %dma_wait3A_190 = arith.constant 0 : i32
        %dma_wait3A_191 = tpu.memref_slice %arg8[%run_scoped3A, %dma_wait3A_189, %dma_wait3A_190] : memref<2x64x128xf32, #tpu.memory_space<vmem>> -> memref<1x64x128xf32, #tpu.memory_space<vmem>>
        %dma_wait3A_192 = tpu.memref_squeeze %dma_wait3A_191 : memref<1x64x128xf32, #tpu.memory_space<vmem>> -> memref<64x128xf32, #tpu.memory_space<vmem>>
        tpu.wait_dma2 semaphore(%run_scoped3A_170 : memref<!tpu.dma_semaphore, #tpu.memory_space<semaphore_mem>>) src(%dma_wait3A_192 : memref<64x128xf32, #tpu.memory_space<vmem>>) dst(%dma_wait3A_188 : memref<64x128xf32, #tpu.memory_space<vmem_shared>>)
        tpu.yield
      }) : () -> ()
    } else {
    }
    %add3A_56 = arith.constant 112 : i32
    %add3A_57 = arith.addi %arg1, %add3A_56 : i32
    %lt3A_58 = arith.constant 156 : i32
    %lt3A_59 = arith.cmpi slt, %add3A_57, %lt3A_58 : i32
    %convert_element_type3A_60 = arith.extui %lt3A_59 : i1 to i32
    %cond3A_61 = arith.constant 0 : i32
    %cond3A_62 = arith.cmpi ne, %convert_element_type3A_60, %cond3A_61 : i32
    scf.if %cond3A_62 {
      %mul3A_168 = arith.constant 64 : i32
      %mul3A_169 = arith.muli %add3A_57, %mul3A_168 : i32
      %run_scoped3A = arith.constant 0 : i32
      "tpu.region"() ({
        %run_scoped3A_170 = tpu.sem_alloc : memref<!tpu.dma_semaphore, #tpu.memory_space<semaphore_mem>>
        %dma_start3A = arith.constant 0 : i32
        %dma_start3A_171 = arith.constant 0 : i32
        %dma_start3A_172 = tpu.memref_slice %arg8[%run_scoped3A, %dma_start3A, %dma_start3A_171] : memref<2x64x128xf32, #tpu.memory_space<vmem>> -> memref<1x64x128xf32, #tpu.memory_space<vmem>>
        %dma_start3A_173 = tpu.memref_squeeze %dma_start3A_172 : memref<1x64x128xf32, #tpu.memory_space<vmem>> -> memref<64x128xf32, #tpu.memory_space<vmem>>
        %dma_start3A_174 = arith.constant 0 : i32
        %dma_start3A_175 = tpu.memref_slice %arg10[%mul3A_169, %dma_start3A_174] : memref<10000x128xf32, #tpu.memory_space<vmem_shared>> -> memref<64x128xf32, #tpu.memory_space<vmem_shared>>
        %dma_start3A_176 = arith.constant 0 : i32
        %dma_start3A_177 = tpu.memref_slice %arg10[%mul3A_169, %dma_start3A_176] : memref<10000x128xf32, #tpu.memory_space<vmem_shared>> -> memref<64x128xf32, #tpu.memory_space<vmem_shared>>
        %dma_start3A_178 = arith.constant 0 : i32
        %dma_start3A_179 = arith.constant 0 : i32
        %dma_start3A_180 = tpu.memref_slice %arg8[%run_scoped3A, %dma_start3A_178, %dma_start3A_179] : memref<2x64x128xf32, #tpu.memory_space<vmem>> -> memref<1x64x128xf32, #tpu.memory_space<vmem>>
        %dma_start3A_181 = tpu.memref_squeeze %dma_start3A_180 : memref<1x64x128xf32, #tpu.memory_space<vmem>> -> memref<64x128xf32, #tpu.memory_space<vmem>>
        tpu.enqueue_dma source(%dma_start3A_181 : memref<64x128xf32, #tpu.memory_space<vmem>>) target(%dma_start3A_177 : memref<64x128xf32, #tpu.memory_space<vmem_shared>>) target_semaphore(%run_scoped3A_170 : memref<!tpu.dma_semaphore, #tpu.memory_space<semaphore_mem>>)
        %dma_wait3A = arith.constant 0 : i32
        %dma_wait3A_182 = arith.constant 0 : i32
        %dma_wait3A_183 = tpu.memref_slice %arg8[%run_scoped3A, %dma_wait3A, %dma_wait3A_182] : memref<2x64x128xf32, #tpu.memory_space<vmem>> -> memref<1x64x128xf32, #tpu.memory_space<vmem>>
        %dma_wait3A_184 = tpu.memref_squeeze %dma_wait3A_183 : memref<1x64x128xf32, #tpu.memory_space<vmem>> -> memref<64x128xf32, #tpu.memory_space<vmem>>
        %dma_wait3A_185 = arith.constant 0 : i32
        %dma_wait3A_186 = tpu.memref_slice %arg10[%mul3A_169, %dma_wait3A_185] : memref<10000x128xf32, #tpu.memory_space<vmem_shared>> -> memref<64x128xf32, #tpu.memory_space<vmem_shared>>
        %dma_wait3A_187 = arith.constant 0 : i32
        %dma_wait3A_188 = tpu.memref_slice %arg10[%mul3A_169, %dma_wait3A_187] : memref<10000x128xf32, #tpu.memory_space<vmem_shared>> -> memref<64x128xf32, #tpu.memory_space<vmem_shared>>
        %dma_wait3A_189 = arith.constant 0 : i32
        %dma_wait3A_190 = arith.constant 0 : i32
        %dma_wait3A_191 = tpu.memref_slice %arg8[%run_scoped3A, %dma_wait3A_189, %dma_wait3A_190] : memref<2x64x128xf32, #tpu.memory_space<vmem>> -> memref<1x64x128xf32, #tpu.memory_space<vmem>>
        %dma_wait3A_192 = tpu.memref_squeeze %dma_wait3A_191 : memref<1x64x128xf32, #tpu.memory_space<vmem>> -> memref<64x128xf32, #tpu.memory_space<vmem>>
        tpu.wait_dma2 semaphore(%run_scoped3A_170 : memref<!tpu.dma_semaphore, #tpu.memory_space<semaphore_mem>>) src(%dma_wait3A_192 : memref<64x128xf32, #tpu.memory_space<vmem>>) dst(%dma_wait3A_188 : memref<64x128xf32, #tpu.memory_space<vmem_shared>>)
        tpu.yield
      }) : () -> ()
    } else {
    }
    %add3A_63 = arith.constant 128 : i32
    %add3A_64 = arith.addi %arg1, %add3A_63 : i32
    %lt3A_65 = arith.constant 156 : i32
    %lt3A_66 = arith.cmpi slt, %add3A_64, %lt3A_65 : i32
    %convert_element_type3A_67 = arith.extui %lt3A_66 : i1 to i32
    %cond3A_68 = arith.constant 0 : i32
    %cond3A_69 = arith.cmpi ne, %convert_element_type3A_67, %cond3A_68 : i32
    scf.if %cond3A_69 {
      %mul3A_168 = arith.constant 64 : i32
      %mul3A_169 = arith.muli %add3A_64, %mul3A_168 : i32
      %run_scoped3A = arith.constant 0 : i32
      "tpu.region"() ({
        %run_scoped3A_170 = tpu.sem_alloc : memref<!tpu.dma_semaphore, #tpu.memory_space<semaphore_mem>>
        %dma_start3A = arith.constant 0 : i32
        %dma_start3A_171 = arith.constant 0 : i32
        %dma_start3A_172 = tpu.memref_slice %arg8[%run_scoped3A, %dma_start3A, %dma_start3A_171] : memref<2x64x128xf32, #tpu.memory_space<vmem>> -> memref<1x64x128xf32, #tpu.memory_space<vmem>>
        %dma_start3A_173 = tpu.memref_squeeze %dma_start3A_172 : memref<1x64x128xf32, #tpu.memory_space<vmem>> -> memref<64x128xf32, #tpu.memory_space<vmem>>
        %dma_start3A_174 = arith.constant 0 : i32
        %dma_start3A_175 = tpu.memref_slice %arg10[%mul3A_169, %dma_start3A_174] : memref<10000x128xf32, #tpu.memory_space<vmem_shared>> -> memref<64x128xf32, #tpu.memory_space<vmem_shared>>
        %dma_start3A_176 = arith.constant 0 : i32
        %dma_start3A_177 = tpu.memref_slice %arg10[%mul3A_169, %dma_start3A_176] : memref<10000x128xf32, #tpu.memory_space<vmem_shared>> -> memref<64x128xf32, #tpu.memory_space<vmem_shared>>
        %dma_start3A_178 = arith.constant 0 : i32
        %dma_start3A_179 = arith.constant 0 : i32
        %dma_start3A_180 = tpu.memref_slice %arg8[%run_scoped3A, %dma_start3A_178, %dma_start3A_179] : memref<2x64x128xf32, #tpu.memory_space<vmem>> -> memref<1x64x128xf32, #tpu.memory_space<vmem>>
        %dma_start3A_181 = tpu.memref_squeeze %dma_start3A_180 : memref<1x64x128xf32, #tpu.memory_space<vmem>> -> memref<64x128xf32, #tpu.memory_space<vmem>>
        tpu.enqueue_dma source(%dma_start3A_181 : memref<64x128xf32, #tpu.memory_space<vmem>>) target(%dma_start3A_177 : memref<64x128xf32, #tpu.memory_space<vmem_shared>>) target_semaphore(%run_scoped3A_170 : memref<!tpu.dma_semaphore, #tpu.memory_space<semaphore_mem>>)
        %dma_wait3A = arith.constant 0 : i32
        %dma_wait3A_182 = arith.constant 0 : i32
        %dma_wait3A_183 = tpu.memref_slice %arg8[%run_scoped3A, %dma_wait3A, %dma_wait3A_182] : memref<2x64x128xf32, #tpu.memory_space<vmem>> -> memref<1x64x128xf32, #tpu.memory_space<vmem>>
        %dma_wait3A_184 = tpu.memref_squeeze %dma_wait3A_183 : memref<1x64x128xf32, #tpu.memory_space<vmem>> -> memref<64x128xf32, #tpu.memory_space<vmem>>
        %dma_wait3A_185 = arith.constant 0 : i32
        %dma_wait3A_186 = tpu.memref_slice %arg10[%mul3A_169, %dma_wait3A_185] : memref<10000x128xf32, #tpu.memory_space<vmem_shared>> -> memref<64x128xf32, #tpu.memory_space<vmem_shared>>
        %dma_wait3A_187 = arith.constant 0 : i32
        %dma_wait3A_188 = tpu.memref_slice %arg10[%mul3A_169, %dma_wait3A_187] : memref<10000x128xf32, #tpu.memory_space<vmem_shared>> -> memref<64x128xf32, #tpu.memory_space<vmem_shared>>
        %dma_wait3A_189 = arith.constant 0 : i32
        %dma_wait3A_190 = arith.constant 0 : i32
        %dma_wait3A_191 = tpu.memref_slice %arg8[%run_scoped3A, %dma_wait3A_189, %dma_wait3A_190] : memref<2x64x128xf32, #tpu.memory_space<vmem>> -> memref<1x64x128xf32, #tpu.memory_space<vmem>>
        %dma_wait3A_192 = tpu.memref_squeeze %dma_wait3A_191 : memref<1x64x128xf32, #tpu.memory_space<vmem>> -> memref<64x128xf32, #tpu.memory_space<vmem>>
        tpu.wait_dma2 semaphore(%run_scoped3A_170 : memref<!tpu.dma_semaphore, #tpu.memory_space<semaphore_mem>>) src(%dma_wait3A_192 : memref<64x128xf32, #tpu.memory_space<vmem>>) dst(%dma_wait3A_188 : memref<64x128xf32, #tpu.memory_space<vmem_shared>>)
        tpu.yield
      }) : () -> ()
    } else {
    }
    %add3A_70 = arith.constant 144 : i32
    %add3A_71 = arith.addi %arg1, %add3A_70 : i32
    %lt3A_72 = arith.constant 156 : i32
    %lt3A_73 = arith.cmpi slt, %add3A_71, %lt3A_72 : i32
    %convert_element_type3A_74 = arith.extui %lt3A_73 : i1 to i32
    %cond3A_75 = arith.constant 0 : i32
    %cond3A_76 = arith.cmpi ne, %convert_element_type3A_74, %cond3A_75 : i32
    scf.if %cond3A_76 {
      %mul3A_168 = arith.constant 64 : i32
      %mul3A_169 = arith.muli %add3A_71, %mul3A_168 : i32
      %run_scoped3A = arith.constant 0 : i32
      "tpu.region"() ({
        %run_scoped3A_170 = tpu.sem_alloc : memref<!tpu.dma_semaphore, #tpu.memory_space<semaphore_mem>>
        %dma_start3A = arith.constant 0 : i32
        %dma_start3A_171 = arith.constant 0 : i32
        %dma_start3A_172 = tpu.memref_slice %arg8[%run_scoped3A, %dma_start3A, %dma_start3A_171] : memref<2x64x128xf32, #tpu.memory_space<vmem>> -> memref<1x64x128xf32, #tpu.memory_space<vmem>>
        %dma_start3A_173 = tpu.memref_squeeze %dma_start3A_172 : memref<1x64x128xf32, #tpu.memory_space<vmem>> -> memref<64x128xf32, #tpu.memory_space<vmem>>
        %dma_start3A_174 = arith.constant 0 : i32
        %dma_start3A_175 = tpu.memref_slice %arg10[%mul3A_169, %dma_start3A_174] : memref<10000x128xf32, #tpu.memory_space<vmem_shared>> -> memref<64x128xf32, #tpu.memory_space<vmem_shared>>
        %dma_start3A_176 = arith.constant 0 : i32
        %dma_start3A_177 = tpu.memref_slice %arg10[%mul3A_169, %dma_start3A_176] : memref<10000x128xf32, #tpu.memory_space<vmem_shared>> -> memref<64x128xf32, #tpu.memory_space<vmem_shared>>
        %dma_start3A_178 = arith.constant 0 : i32
        %dma_start3A_179 = arith.constant 0 : i32
        %dma_start3A_180 = tpu.memref_slice %arg8[%run_scoped3A, %dma_start3A_178, %dma_start3A_179] : memref<2x64x128xf32, #tpu.memory_space<vmem>> -> memref<1x64x128xf32, #tpu.memory_space<vmem>>
        %dma_start3A_181 = tpu.memref_squeeze %dma_start3A_180 : memref<1x64x128xf32, #tpu.memory_space<vmem>> -> memref<64x128xf32, #tpu.memory_space<vmem>>
        tpu.enqueue_dma source(%dma_start3A_181 : memref<64x128xf32, #tpu.memory_space<vmem>>) target(%dma_start3A_177 : memref<64x128xf32, #tpu.memory_space<vmem_shared>>) target_semaphore(%run_scoped3A_170 : memref<!tpu.dma_semaphore, #tpu.memory_space<semaphore_mem>>)
        %dma_wait3A = arith.constant 0 : i32
        %dma_wait3A_182 = arith.constant 0 : i32
        %dma_wait3A_183 = tpu.memref_slice %arg8[%run_scoped3A, %dma_wait3A, %dma_wait3A_182] : memref<2x64x128xf32, #tpu.memory_space<vmem>> -> memref<1x64x128xf32, #tpu.memory_space<vmem>>
        %dma_wait3A_184 = tpu.memref_squeeze %dma_wait3A_183 : memref<1x64x128xf32, #tpu.memory_space<vmem>> -> memref<64x128xf32, #tpu.memory_space<vmem>>
        %dma_wait3A_185 = arith.constant 0 : i32
        %dma_wait3A_186 = tpu.memref_slice %arg10[%mul3A_169, %dma_wait3A_185] : memref<10000x128xf32, #tpu.memory_space<vmem_shared>> -> memref<64x128xf32, #tpu.memory_space<vmem_shared>>
        %dma_wait3A_187 = arith.constant 0 : i32
        %dma_wait3A_188 = tpu.memref_slice %arg10[%mul3A_169, %dma_wait3A_187] : memref<10000x128xf32, #tpu.memory_space<vmem_shared>> -> memref<64x128xf32, #tpu.memory_space<vmem_shared>>
        %dma_wait3A_189 = arith.constant 0 : i32
        %dma_wait3A_190 = arith.constant 0 : i32
        %dma_wait3A_191 = tpu.memref_slice %arg8[%run_scoped3A, %dma_wait3A_189, %dma_wait3A_190] : memref<2x64x128xf32, #tpu.memory_space<vmem>> -> memref<1x64x128xf32, #tpu.memory_space<vmem>>
        %dma_wait3A_192 = tpu.memref_squeeze %dma_wait3A_191 : memref<1x64x128xf32, #tpu.memory_space<vmem>> -> memref<64x128xf32, #tpu.memory_space<vmem>>
        tpu.wait_dma2 semaphore(%run_scoped3A_170 : memref<!tpu.dma_semaphore, #tpu.memory_space<semaphore_mem>>) src(%dma_wait3A_192 : memref<64x128xf32, #tpu.memory_space<vmem>>) dst(%dma_wait3A_188 : memref<64x128xf32, #tpu.memory_space<vmem_shared>>)
        tpu.yield
      }) : () -> ()
    } else {
    }
    %eq3A = arith.constant 12 : i32
    %eq3A_77 = arith.cmpi eq, %arg1, %eq3A : i32
    %convert_element_type3A_78 = arith.extui %eq3A_77 : i1 to i32
    %cond3A_79 = arith.constant 0 : i32
    %cond3A_80 = arith.cmpi ne, %convert_element_type3A_78, %cond3A_79 : i32
    scf.if %cond3A_80 {
      %run_scoped3A = arith.constant 0 : i32
      "tpu.region"() ({
        %run_scoped3A_168 = tpu.sem_alloc : memref<!tpu.dma_semaphore, #tpu.memory_space<semaphore_mem>>
        %dma_start3A = arith.constant 0 : i32
        %dma_start3A_169 = arith.constant 0 : i32
        %dma_start3A_170 = tpu.memref_slice %arg8[%run_scoped3A, %dma_start3A, %dma_start3A_169] : memref<2x64x128xf32, #tpu.memory_space<vmem>> -> memref<1x16x128xf32, #tpu.memory_space<vmem>>
        %dma_start3A_171 = tpu.memref_squeeze %dma_start3A_170 : memref<1x16x128xf32, #tpu.memory_space<vmem>> -> memref<16x128xf32, #tpu.memory_space<vmem>>
        %dma_start3A_172 = arith.constant 9984 : i32
        %dma_start3A_173 = arith.constant 0 : i32
        %dma_start3A_174 = tpu.memref_slice %arg10[%dma_start3A_172, %dma_start3A_173] : memref<10000x128xf32, #tpu.memory_space<vmem_shared>> -> memref<16x128xf32, #tpu.memory_space<vmem_shared>>
        %dma_start3A_175 = arith.constant 9984 : i32
        %dma_start3A_176 = arith.constant 0 : i32
        %dma_start3A_177 = tpu.memref_slice %arg10[%dma_start3A_175, %dma_start3A_176] : memref<10000x128xf32, #tpu.memory_space<vmem_shared>> -> memref<16x128xf32, #tpu.memory_space<vmem_shared>>
        %dma_start3A_178 = arith.constant 0 : i32
        %dma_start3A_179 = arith.constant 0 : i32
        %dma_start3A_180 = tpu.memref_slice %arg8[%run_scoped3A, %dma_start3A_178, %dma_start3A_179] : memref<2x64x128xf32, #tpu.memory_space<vmem>> -> memref<1x16x128xf32, #tpu.memory_space<vmem>>
        %dma_start3A_181 = tpu.memref_squeeze %dma_start3A_180 : memref<1x16x128xf32, #tpu.memory_space<vmem>> -> memref<16x128xf32, #tpu.memory_space<vmem>>
        tpu.enqueue_dma source(%dma_start3A_181 : memref<16x128xf32, #tpu.memory_space<vmem>>) target(%dma_start3A_177 : memref<16x128xf32, #tpu.memory_space<vmem_shared>>) target_semaphore(%run_scoped3A_168 : memref<!tpu.dma_semaphore, #tpu.memory_space<semaphore_mem>>)
        %dma_wait3A = arith.constant 0 : i32
        %dma_wait3A_182 = arith.constant 0 : i32
        %dma_wait3A_183 = tpu.memref_slice %arg8[%run_scoped3A, %dma_wait3A, %dma_wait3A_182] : memref<2x64x128xf32, #tpu.memory_space<vmem>> -> memref<1x16x128xf32, #tpu.memory_space<vmem>>
        %dma_wait3A_184 = tpu.memref_squeeze %dma_wait3A_183 : memref<1x16x128xf32, #tpu.memory_space<vmem>> -> memref<16x128xf32, #tpu.memory_space<vmem>>
        %dma_wait3A_185 = arith.constant 9984 : i32
        %dma_wait3A_186 = arith.constant 0 : i32
        %dma_wait3A_187 = tpu.memref_slice %arg10[%dma_wait3A_185, %dma_wait3A_186] : memref<10000x128xf32, #tpu.memory_space<vmem_shared>> -> memref<16x128xf32, #tpu.memory_space<vmem_shared>>
        %dma_wait3A_188 = arith.constant 9984 : i32
        %dma_wait3A_189 = arith.constant 0 : i32
        %dma_wait3A_190 = tpu.memref_slice %arg10[%dma_wait3A_188, %dma_wait3A_189] : memref<10000x128xf32, #tpu.memory_space<vmem_shared>> -> memref<16x128xf32, #tpu.memory_space<vmem_shared>>
        %dma_wait3A_191 = arith.constant 0 : i32
        %dma_wait3A_192 = arith.constant 0 : i32
        %dma_wait3A_193 = tpu.memref_slice %arg8[%run_scoped3A, %dma_wait3A_191, %dma_wait3A_192] : memref<2x64x128xf32, #tpu.memory_space<vmem>> -> memref<1x16x128xf32, #tpu.memory_space<vmem>>
        %dma_wait3A_194 = tpu.memref_squeeze %dma_wait3A_193 : memref<1x16x128xf32, #tpu.memory_space<vmem>> -> memref<16x128xf32, #tpu.memory_space<vmem>>
        tpu.wait_dma2 semaphore(%run_scoped3A_168 : memref<!tpu.dma_semaphore, #tpu.memory_space<semaphore_mem>>) src(%dma_wait3A_194 : memref<16x128xf32, #tpu.memory_space<vmem>>) dst(%dma_wait3A_190 : memref<16x128xf32, #tpu.memory_space<vmem_shared>>)
        tpu.yield
      }) : () -> ()
    } else {
    }
    %barrier3A = arith.constant 0 : index
    tpu.barrier barrier_id(%barrier3A)
    %scan3A_81 = arith.constant 0 : i32
    %scan3A_82 = arith.constant 0 : i32
    %scan3A_83 = arith.constant 4 : i32
    %scan3A_84 = arith.addi %scan3A_82, %scan3A_83 : i32
    %scan3A_85 = arith.constant 1 : i32
    scf.for %scan3A_168 = %scan3A_82 to %scan3A_84 step %scan3A_85  : i32 {
      %mul3A_169 = arith.constant 39 : i32
      %mul3A_170 = arith.muli %scan3A_168, %mul3A_169 : i32
      %add3A_171 = arith.addi %add3A_4, %mul3A_170 : i32
      %run_scoped3A = arith.constant 0 : i32
      "tpu.region"() ({
        %run_scoped3A_272 = tpu.sem_alloc : memref<!tpu.dma_semaphore, #tpu.memory_space<semaphore_mem>>
        %dma_start3A_273 = arith.constant 0 : i32
        %dma_start3A_274 = arith.constant 0 : i32
        %dma_start3A_275 = tpu.memref_slice %arg4[%run_scoped3A, %add3A_171, %dma_start3A_273, %dma_start3A_274] : memref<2x5000x1x64xi32, #tpu.memory_space<hbm>> -> memref<1x39x1x64xi32, #tpu.memory_space<hbm>>
        %dma_start3A_276 = tpu.memref_squeeze %dma_start3A_275 : memref<1x39x1x64xi32, #tpu.memory_space<hbm>> -> memref<39x1x64xi32, #tpu.memory_space<hbm>>
        %dma_start3A_277 = arith.constant 0 : i32
        %dma_start3A_278 = arith.constant 0 : i32
        %dma_start3A_279 = tpu.memref_slice %arg4[%run_scoped3A, %add3A_171, %dma_start3A_277, %dma_start3A_278] : memref<2x5000x1x64xi32, #tpu.memory_space<hbm>> -> memref<1x39x1x64xi32, #tpu.memory_space<hbm>>
        %dma_start3A_280 = tpu.memref_squeeze %dma_start3A_279 : memref<1x39x1x64xi32, #tpu.memory_space<hbm>> -> memref<39x1x64xi32, #tpu.memory_space<hbm>>
        tpu.enqueue_dma source(%dma_start3A_280 : memref<39x1x64xi32, #tpu.memory_space<hbm>>) target(%arg6 : memref<39x1x64xi32, #tpu.memory_space<vmem>>) target_semaphore(%run_scoped3A_272 : memref<!tpu.dma_semaphore, #tpu.memory_space<semaphore_mem>>)
        %dma_wait3A_281 = arith.constant 0 : i32
        %dma_wait3A_282 = arith.constant 0 : i32
        %dma_wait3A_283 = tpu.memref_slice %arg4[%run_scoped3A, %add3A_171, %dma_wait3A_281, %dma_wait3A_282] : memref<2x5000x1x64xi32, #tpu.memory_space<hbm>> -> memref<1x39x1x64xi32, #tpu.memory_space<hbm>>
        %dma_wait3A_284 = tpu.memref_squeeze %dma_wait3A_283 : memref<1x39x1x64xi32, #tpu.memory_space<hbm>> -> memref<39x1x64xi32, #tpu.memory_space<hbm>>
        %dma_wait3A_285 = arith.constant 0 : i32
        %dma_wait3A_286 = arith.constant 0 : i32
        %dma_wait3A_287 = tpu.memref_slice %arg4[%run_scoped3A, %add3A_171, %dma_wait3A_285, %dma_wait3A_286] : memref<2x5000x1x64xi32, #tpu.memory_space<hbm>> -> memref<1x39x1x64xi32, #tpu.memory_space<hbm>>
        %dma_wait3A_288 = tpu.memref_squeeze %dma_wait3A_287 : memref<1x39x1x64xi32, #tpu.memory_space<hbm>> -> memref<39x1x64xi32, #tpu.memory_space<hbm>>
        tpu.wait_dma2 semaphore(%run_scoped3A_272 : memref<!tpu.dma_semaphore, #tpu.memory_space<semaphore_mem>>) src(%dma_wait3A_288 : memref<39x1x64xi32, #tpu.memory_space<hbm>>) dst(%arg6 : memref<39x1x64xi32, #tpu.memory_space<vmem>>)
        tpu.yield
      }) : () -> ()
      %run_scoped3A_172 = arith.constant 1 : i32
      "tpu.region"() ({
        %run_scoped3A_272 = tpu.sem_alloc : memref<!tpu.dma_semaphore, #tpu.memory_space<semaphore_mem>>
        %dma_start3A_273 = arith.constant 0 : i32
        %dma_start3A_274 = arith.constant 0 : i32
        %dma_start3A_275 = tpu.memref_slice %arg4[%run_scoped3A_172, %add3A_171, %dma_start3A_273, %dma_start3A_274] : memref<2x5000x1x64xi32, #tpu.memory_space<hbm>> -> memref<1x39x1x64xi32, #tpu.memory_space<hbm>>
        %dma_start3A_276 = tpu.memref_squeeze %dma_start3A_275 : memref<1x39x1x64xi32, #tpu.memory_space<hbm>> -> memref<39x1x64xi32, #tpu.memory_space<hbm>>
        %dma_start3A_277 = arith.constant 0 : i32
        %dma_start3A_278 = arith.constant 0 : i32
        %dma_start3A_279 = tpu.memref_slice %arg4[%run_scoped3A_172, %add3A_171, %dma_start3A_277, %dma_start3A_278] : memref<2x5000x1x64xi32, #tpu.memory_space<hbm>> -> memref<1x39x1x64xi32, #tpu.memory_space<hbm>>
        %dma_start3A_280 = tpu.memref_squeeze %dma_start3A_279 : memref<1x39x1x64xi32, #tpu.memory_space<hbm>> -> memref<39x1x64xi32, #tpu.memory_space<hbm>>
        tpu.enqueue_dma source(%dma_start3A_280 : memref<39x1x64xi32, #tpu.memory_space<hbm>>) target(%arg7 : memref<39x1x64xi32, #tpu.memory_space<vmem>>) target_semaphore(%run_scoped3A_272 : memref<!tpu.dma_semaphore, #tpu.memory_space<semaphore_mem>>)
        %dma_wait3A_281 = arith.constant 0 : i32
        %dma_wait3A_282 = arith.constant 0 : i32
        %dma_wait3A_283 = tpu.memref_slice %arg4[%run_scoped3A_172, %add3A_171, %dma_wait3A_281, %dma_wait3A_282] : memref<2x5000x1x64xi32, #tpu.memory_space<hbm>> -> memref<1x39x1x64xi32, #tpu.memory_space<hbm>>
        %dma_wait3A_284 = tpu.memref_squeeze %dma_wait3A_283 : memref<1x39x1x64xi32, #tpu.memory_space<hbm>> -> memref<39x1x64xi32, #tpu.memory_space<hbm>>
        %dma_wait3A_285 = arith.constant 0 : i32
        %dma_wait3A_286 = arith.constant 0 : i32
        %dma_wait3A_287 = tpu.memref_slice %arg4[%run_scoped3A_172, %add3A_171, %dma_wait3A_285, %dma_wait3A_286] : memref<2x5000x1x64xi32, #tpu.memory_space<hbm>> -> memref<1x39x1x64xi32, #tpu.memory_space<hbm>>
        %dma_wait3A_288 = tpu.memref_squeeze %dma_wait3A_287 : memref<1x39x1x64xi32, #tpu.memory_space<hbm>> -> memref<39x1x64xi32, #tpu.memory_space<hbm>>
        tpu.wait_dma2 semaphore(%run_scoped3A_272 : memref<!tpu.dma_semaphore, #tpu.memory_space<semaphore_mem>>) src(%dma_wait3A_288 : memref<39x1x64xi32, #tpu.memory_space<hbm>>) dst(%arg7 : memref<39x1x64xi32, #tpu.memory_space<vmem>>)
        tpu.yield
      }) : () -> ()
      %dma_start3A = arith.constant 0 : i32
      %dma_start3A_173 = arith.constant 0 : i32
      %dma_start3A_174 = arith.constant 0 : i32
      %dma_start3A_175 = arith.constant 0 : i32
      %dma_start3A_176 = arith.constant 0 : i32
      %dma_start3A_177 = arith.constant 0 : i32
      %dma_start3A_178 = tpu.memref_slice %arg8[%dma_start3A_174, %dma_start3A_176, %dma_start3A_177] : memref<2x64x128xf32, #tpu.memory_space<vmem>> -> memref<1x64x128xf32, #tpu.memory_space<vmem>>
      %dma_start3A_179 = tpu.memref_squeeze %dma_start3A_178 : memref<1x64x128xf32, #tpu.memory_space<vmem>> -> memref<64x128xf32, #tpu.memory_space<vmem>>
      %dma_start3A_180 = arith.constant 0 : i32
      %dma_start3A_181 = tpu.memref_slice %arg6[%dma_start3A, %dma_start3A_173, %dma_start3A_180] : memref<39x1x64xi32, #tpu.memory_space<vmem>> -> memref<1x1x64xi32, #tpu.memory_space<vmem>>
      %dma_start3A_182 = tpu.memref_squeeze %dma_start3A_181 : memref<1x1x64xi32, #tpu.memory_space<vmem>> -> memref<64xi32, #tpu.memory_space<vmem>>
      %dma_start3A_183 = arith.constant 0 : i32
      %dma_start3A_184 = arith.constant 0 : i32
      %dma_start3A_185 = tpu.memref_slice %arg2[%dma_start3A_183, %dma_start3A_184] : memref<10000x128xf32, #tpu.memory_space<hbm>> -> memref<10000x128xf32, #tpu.memory_space<hbm>>
      %dma_start3A_186 = tpu.memref_slice %arg11[%dma_start3A_175] : memref<2x!tpu.dma_semaphore, #tpu.memory_space<semaphore_mem>> -> memref<1x!tpu.dma_semaphore, #tpu.memory_space<semaphore_mem>>
      %dma_start3A_187 = tpu.memref_squeeze %dma_start3A_186 : memref<1x!tpu.dma_semaphore, #tpu.memory_space<semaphore_mem>> -> memref<!tpu.dma_semaphore, #tpu.memory_space<semaphore_mem>>
      tpu.enqueue_indirect_dma source(%dma_start3A_185 : memref<10000x128xf32, #tpu.memory_space<hbm>>) target(%dma_start3A_179 : memref<64x128xf32, #tpu.memory_space<vmem>>) offsets(%dma_start3A_182 : memref<64xi32, #tpu.memory_space<vmem>>) semaphore(%dma_start3A_187 : memref<!tpu.dma_semaphore, #tpu.memory_space<semaphore_mem>>)
      %mul3A_188 = arith.constant 64 : i32
      %mul3A_189 = arith.muli %add3A_171, %mul3A_188 : i32
      %dma_start3A_190 = arith.constant 0 : i32
      %dma_start3A_191 = arith.constant 0 : i32
      %dma_start3A_192 = arith.constant 0 : i32
      %dma_start3A_193 = arith.constant 0 : i32
      %dma_start3A_194 = tpu.memref_slice %arg9[%dma_start3A_190, %dma_start3A_192, %dma_start3A_193] : memref<2x64x128xf32, #tpu.memory_space<vmem>> -> memref<1x64x128xf32, #tpu.memory_space<vmem>>
      %dma_start3A_195 = tpu.memref_squeeze %dma_start3A_194 : memref<1x64x128xf32, #tpu.memory_space<vmem>> -> memref<64x128xf32, #tpu.memory_space<vmem>>
      %dma_start3A_196 = arith.constant 0 : i32
      %dma_start3A_197 = tpu.memref_slice %arg3[%mul3A_189, %dma_start3A_196] : memref<320000x128xf32, #tpu.memory_space<hbm>> -> memref<64x128xf32, #tpu.memory_space<hbm>>
      %dma_start3A_198 = tpu.memref_slice %arg12[%dma_start3A_191] : memref<2x!tpu.dma_semaphore, #tpu.memory_space<semaphore_mem>> -> memref<1x!tpu.dma_semaphore, #tpu.memory_space<semaphore_mem>>
      %dma_start3A_199 = tpu.memref_squeeze %dma_start3A_198 : memref<1x!tpu.dma_semaphore, #tpu.memory_space<semaphore_mem>> -> memref<!tpu.dma_semaphore, #tpu.memory_space<semaphore_mem>>
      %dma_start3A_200 = arith.constant 0 : i32
      %dma_start3A_201 = arith.constant 0 : i32
      %dma_start3A_202 = tpu.memref_slice %arg9[%dma_start3A_190, %dma_start3A_200, %dma_start3A_201] : memref<2x64x128xf32, #tpu.memory_space<vmem>> -> memref<1x64x128xf32, #tpu.memory_space<vmem>>
      %dma_start3A_203 = tpu.memref_squeeze %dma_start3A_202 : memref<1x64x128xf32, #tpu.memory_space<vmem>> -> memref<64x128xf32, #tpu.memory_space<vmem>>
      %dma_start3A_204 = arith.constant 0 : i32
      %dma_start3A_205 = tpu.memref_slice %arg3[%mul3A_189, %dma_start3A_204] : memref<320000x128xf32, #tpu.memory_space<hbm>> -> memref<64x128xf32, #tpu.memory_space<hbm>>
      tpu.enqueue_dma source(%dma_start3A_205 : memref<64x128xf32, #tpu.memory_space<hbm>>) target(%dma_start3A_203 : memref<64x128xf32, #tpu.memory_space<vmem>>) target_semaphore(%dma_start3A_199 : memref<!tpu.dma_semaphore, #tpu.memory_space<semaphore_mem>>)
      %scan3A_206 = arith.constant 0 : i32
      %scan3A_207 = arith.constant 0 : i32
      %scan3A_208 = arith.constant 39 : i32
      %scan3A_209 = arith.addi %scan3A_207, %scan3A_208 : i32
      %scan3A_210 = arith.constant 1 : i32
      scf.for %scan3A_272 = %scan3A_207 to %scan3A_209 step %scan3A_210  : i32 {
        %rem3A_273 = arith.constant 2 : i32
        %rem3A_274 = arith.remsi %scan3A_272, %rem3A_273 : i32
        %sub3A = arith.constant 1 : i32
        %sub3A_275 = arith.subi %sub3A, %rem3A_274 : i32
        %add3A_276 = arith.constant 1 : i32
        %add3A_277 = arith.addi %scan3A_272, %add3A_276 : i32
        %lt3A_278 = arith.constant 39 : i32
        %lt3A_279 = arith.cmpi slt, %add3A_277, %lt3A_278 : i32
        %convert_element_type3A_280 = arith.extui %lt3A_279 : i1 to i32
        %cond3A_281 = arith.constant 0 : i32
        %cond3A_282 = arith.cmpi ne, %convert_element_type3A_280, %cond3A_281 : i32
        scf.if %cond3A_282 {
          %ge3A = arith.constant 1 : i32
          %ge3A_338 = arith.cmpi sge, %scan3A_272, %ge3A : i32
          %convert_element_type3A_339 = arith.extui %ge3A_338 : i1 to i32
          %cond3A_340 = arith.constant 0 : i32
          %cond3A_341 = arith.cmpi ne, %convert_element_type3A_339, %cond3A_340 : i32
          scf.if %cond3A_341 {
            %sub3A_376 = arith.constant 1 : i32
            %sub3A_377 = arith.subi %scan3A_272, %sub3A_376 : i32
            %dma_wait3A_378 = arith.constant 0 : i32
            %dma_wait3A_379 = arith.constant 0 : i32
            %dma_wait3A_380 = arith.constant 0 : i32
            %dma_wait3A_381 = tpu.memref_slice %arg8[%sub3A_275, %dma_wait3A_379, %dma_wait3A_380] : memref<2x64x128xf32, #tpu.memory_space<vmem>> -> memref<1x64x128xf32, #tpu.memory_space<vmem>>
            %dma_wait3A_382 = tpu.memref_squeeze %dma_wait3A_381 : memref<1x64x128xf32, #tpu.memory_space<vmem>> -> memref<64x128xf32, #tpu.memory_space<vmem>>
            %dma_wait3A_383 = arith.constant 0 : i32
            %dma_wait3A_384 = tpu.memref_slice %arg7[%sub3A_377, %dma_wait3A_378, %dma_wait3A_383] : memref<39x1x64xi32, #tpu.memory_space<vmem>> -> memref<1x1x64xi32, #tpu.memory_space<vmem>>
            %dma_wait3A_385 = tpu.memref_squeeze %dma_wait3A_384 : memref<1x1x64xi32, #tpu.memory_space<vmem>> -> memref<64xi32, #tpu.memory_space<vmem>>
            %dma_wait3A_386 = arith.constant 0 : i32
            %dma_wait3A_387 = arith.constant 0 : i32
            %dma_wait3A_388 = tpu.memref_slice %arg10[%dma_wait3A_386, %dma_wait3A_387] : memref<10000x128xf32, #tpu.memory_space<vmem_shared>> -> memref<10000x128xf32, #tpu.memory_space<vmem_shared>>
            %dma_wait3A_389 = tpu.memref_slice %arg13[%sub3A_275] : memref<2x!tpu.dma_semaphore, #tpu.memory_space<semaphore_mem>> -> memref<1x!tpu.dma_semaphore, #tpu.memory_space<semaphore_mem>>
            %dma_wait3A_390 = tpu.memref_squeeze %dma_wait3A_389 : memref<1x!tpu.dma_semaphore, #tpu.memory_space<semaphore_mem>> -> memref<!tpu.dma_semaphore, #tpu.memory_space<semaphore_mem>>
            tpu.wait_indirect_dma semaphore(%dma_wait3A_390 : memref<!tpu.dma_semaphore, #tpu.memory_space<semaphore_mem>>) src(%dma_wait3A_382 : memref<64x128xf32, #tpu.memory_space<vmem>>) dst(%dma_wait3A_388 : memref<10000x128xf32, #tpu.memory_space<vmem_shared>>)
            %dma_wait3A_391 = arith.constant 0 : i32
            %dma_wait3A_392 = arith.constant 0 : i32
            %dma_wait3A_393 = arith.constant 0 : i32
            %dma_wait3A_394 = tpu.memref_slice %arg9[%sub3A_275, %dma_wait3A_392, %dma_wait3A_393] : memref<2x64x128xf32, #tpu.memory_space<vmem>> -> memref<1x64x128xf32, #tpu.memory_space<vmem>>
            %dma_wait3A_395 = tpu.memref_squeeze %dma_wait3A_394 : memref<1x64x128xf32, #tpu.memory_space<vmem>> -> memref<64x128xf32, #tpu.memory_space<vmem>>
            %dma_wait3A_396 = arith.constant 0 : i32
            %dma_wait3A_397 = tpu.memref_slice %arg7[%sub3A_377, %dma_wait3A_391, %dma_wait3A_396] : memref<39x1x64xi32, #tpu.memory_space<vmem>> -> memref<1x1x64xi32, #tpu.memory_space<vmem>>
            %dma_wait3A_398 = tpu.memref_squeeze %dma_wait3A_397 : memref<1x1x64xi32, #tpu.memory_space<vmem>> -> memref<64xi32, #tpu.memory_space<vmem>>
            %dma_wait3A_399 = arith.constant 0 : i32
            %dma_wait3A_400 = arith.constant 0 : i32
            %dma_wait3A_401 = tpu.memref_slice %arg10[%dma_wait3A_399, %dma_wait3A_400] : memref<10000x128xf32, #tpu.memory_space<vmem_shared>> -> memref<10000x128xf32, #tpu.memory_space<vmem_shared>>
            %dma_wait3A_402 = tpu.memref_slice %arg14[%sub3A_275] : memref<2x!tpu.dma_semaphore, #tpu.memory_space<semaphore_mem>> -> memref<1x!tpu.dma_semaphore, #tpu.memory_space<semaphore_mem>>
            %dma_wait3A_403 = tpu.memref_squeeze %dma_wait3A_402 : memref<1x!tpu.dma_semaphore, #tpu.memory_space<semaphore_mem>> -> memref<!tpu.dma_semaphore, #tpu.memory_space<semaphore_mem>>
            tpu.wait_indirect_dma semaphore(%dma_wait3A_403 : memref<!tpu.dma_semaphore, #tpu.memory_space<semaphore_mem>>) src(%dma_wait3A_395 : memref<64x128xf32, #tpu.memory_space<vmem>>) dst(%dma_wait3A_401 : memref<10000x128xf32, #tpu.memory_space<vmem_shared>>)
          } else {
          }
          %add3A_342 = arith.addi %add3A_171, %scan3A_272 : i32
          %add3A_343 = arith.constant 1 : i32
          %add3A_344 = arith.addi %add3A_342, %add3A_343 : i32
          %add3A_345 = arith.constant 1 : i32
          %add3A_346 = arith.addi %scan3A_272, %add3A_345 : i32
          %dma_start3A_347 = arith.constant 0 : i32
          %dma_start3A_348 = arith.constant 0 : i32
          %dma_start3A_349 = arith.constant 0 : i32
          %dma_start3A_350 = tpu.memref_slice %arg8[%sub3A_275, %dma_start3A_348, %dma_start3A_349] : memref<2x64x128xf32, #tpu.memory_space<vmem>> -> memref<1x64x128xf32, #tpu.memory_space<vmem>>
          %dma_start3A_351 = tpu.memref_squeeze %dma_start3A_350 : memref<1x64x128xf32, #tpu.memory_space<vmem>> -> memref<64x128xf32, #tpu.memory_space<vmem>>
          %dma_start3A_352 = arith.constant 0 : i32
          %dma_start3A_353 = tpu.memref_slice %arg6[%add3A_346, %dma_start3A_347, %dma_start3A_352] : memref<39x1x64xi32, #tpu.memory_space<vmem>> -> memref<1x1x64xi32, #tpu.memory_space<vmem>>
          %dma_start3A_354 = tpu.memref_squeeze %dma_start3A_353 : memref<1x1x64xi32, #tpu.memory_space<vmem>> -> memref<64xi32, #tpu.memory_space<vmem>>
          %dma_start3A_355 = arith.constant 0 : i32
          %dma_start3A_356 = arith.constant 0 : i32
          %dma_start3A_357 = tpu.memref_slice %arg2[%dma_start3A_355, %dma_start3A_356] : memref<10000x128xf32, #tpu.memory_space<hbm>> -> memref<10000x128xf32, #tpu.memory_space<hbm>>
          %dma_start3A_358 = tpu.memref_slice %arg11[%sub3A_275] : memref<2x!tpu.dma_semaphore, #tpu.memory_space<semaphore_mem>> -> memref<1x!tpu.dma_semaphore, #tpu.memory_space<semaphore_mem>>
          %dma_start3A_359 = tpu.memref_squeeze %dma_start3A_358 : memref<1x!tpu.dma_semaphore, #tpu.memory_space<semaphore_mem>> -> memref<!tpu.dma_semaphore, #tpu.memory_space<semaphore_mem>>
          tpu.enqueue_indirect_dma source(%dma_start3A_357 : memref<10000x128xf32, #tpu.memory_space<hbm>>) target(%dma_start3A_351 : memref<64x128xf32, #tpu.memory_space<vmem>>) offsets(%dma_start3A_354 : memref<64xi32, #tpu.memory_space<vmem>>) semaphore(%dma_start3A_359 : memref<!tpu.dma_semaphore, #tpu.memory_space<semaphore_mem>>)
          %mul3A_360 = arith.constant 64 : i32
          %mul3A_361 = arith.muli %add3A_344, %mul3A_360 : i32
          %dma_start3A_362 = arith.constant 0 : i32
          %dma_start3A_363 = arith.constant 0 : i32
          %dma_start3A_364 = tpu.memref_slice %arg9[%sub3A_275, %dma_start3A_362, %dma_start3A_363] : memref<2x64x128xf32, #tpu.memory_space<vmem>> -> memref<1x64x128xf32, #tpu.memory_space<vmem>>
          %dma_start3A_365 = tpu.memref_squeeze %dma_start3A_364 : memref<1x64x128xf32, #tpu.memory_space<vmem>> -> memref<64x128xf32, #tpu.memory_space<vmem>>
          %dma_start3A_366 = arith.constant 0 : i32
          %dma_start3A_367 = tpu.memref_slice %arg3[%mul3A_361, %dma_start3A_366] : memref<320000x128xf32, #tpu.memory_space<hbm>> -> memref<64x128xf32, #tpu.memory_space<hbm>>
          %dma_start3A_368 = tpu.memref_slice %arg12[%sub3A_275] : memref<2x!tpu.dma_semaphore, #tpu.memory_space<semaphore_mem>> -> memref<1x!tpu.dma_semaphore, #tpu.memory_space<semaphore_mem>>
          %dma_start3A_369 = tpu.memref_squeeze %dma_start3A_368 : memref<1x!tpu.dma_semaphore, #tpu.memory_space<semaphore_mem>> -> memref<!tpu.dma_semaphore, #tpu.memory_space<semaphore_mem>>
          %dma_start3A_370 = arith.constant 0 : i32
          %dma_start3A_371 = arith.constant 0 : i32
          %dma_start3A_372 = tpu.memref_slice %arg9[%sub3A_275, %dma_start3A_370, %dma_start3A_371] : memref<2x64x128xf32, #tpu.memory_space<vmem>> -> memref<1x64x128xf32, #tpu.memory_space<vmem>>
          %dma_start3A_373 = tpu.memref_squeeze %dma_start3A_372 : memref<1x64x128xf32, #tpu.memory_space<vmem>> -> memref<64x128xf32, #tpu.memory_space<vmem>>
          %dma_start3A_374 = arith.constant 0 : i32
          %dma_start3A_375 = tpu.memref_slice %arg3[%mul3A_361, %dma_start3A_374] : memref<320000x128xf32, #tpu.memory_space<hbm>> -> memref<64x128xf32, #tpu.memory_space<hbm>>
          tpu.enqueue_dma source(%dma_start3A_375 : memref<64x128xf32, #tpu.memory_space<hbm>>) target(%dma_start3A_373 : memref<64x128xf32, #tpu.memory_space<vmem>>) target_semaphore(%dma_start3A_369 : memref<!tpu.dma_semaphore, #tpu.memory_space<semaphore_mem>>)
        } else {
        }
        %dma_wait3A_283 = arith.constant 0 : i32
        %dma_wait3A_284 = arith.constant 0 : i32
        %dma_wait3A_285 = arith.constant 0 : i32
        %dma_wait3A_286 = tpu.memref_slice %arg8[%rem3A_274, %dma_wait3A_284, %dma_wait3A_285] : memref<2x64x128xf32, #tpu.memory_space<vmem>> -> memref<1x64x128xf32, #tpu.memory_space<vmem>>
        %dma_wait3A_287 = tpu.memref_squeeze %dma_wait3A_286 : memref<1x64x128xf32, #tpu.memory_space<vmem>> -> memref<64x128xf32, #tpu.memory_space<vmem>>
        %dma_wait3A_288 = arith.constant 0 : i32
        %dma_wait3A_289 = tpu.memref_slice %arg6[%scan3A_272, %dma_wait3A_283, %dma_wait3A_288] : memref<39x1x64xi32, #tpu.memory_space<vmem>> -> memref<1x1x64xi32, #tpu.memory_space<vmem>>
        %dma_wait3A_290 = tpu.memref_squeeze %dma_wait3A_289 : memref<1x1x64xi32, #tpu.memory_space<vmem>> -> memref<64xi32, #tpu.memory_space<vmem>>
        %dma_wait3A_291 = arith.constant 0 : i32
        %dma_wait3A_292 = arith.constant 0 : i32
        %dma_wait3A_293 = tpu.memref_slice %arg2[%dma_wait3A_291, %dma_wait3A_292] : memref<10000x128xf32, #tpu.memory_space<hbm>> -> memref<10000x128xf32, #tpu.memory_space<hbm>>
        %dma_wait3A_294 = tpu.memref_slice %arg11[%rem3A_274] : memref<2x!tpu.dma_semaphore, #tpu.memory_space<semaphore_mem>> -> memref<1x!tpu.dma_semaphore, #tpu.memory_space<semaphore_mem>>
        %dma_wait3A_295 = tpu.memref_squeeze %dma_wait3A_294 : memref<1x!tpu.dma_semaphore, #tpu.memory_space<semaphore_mem>> -> memref<!tpu.dma_semaphore, #tpu.memory_space<semaphore_mem>>
        tpu.wait_indirect_dma semaphore(%dma_wait3A_295 : memref<!tpu.dma_semaphore, #tpu.memory_space<semaphore_mem>>) src(%dma_wait3A_293 : memref<10000x128xf32, #tpu.memory_space<hbm>>) dst(%dma_wait3A_287 : memref<64x128xf32, #tpu.memory_space<vmem>>)
        %dma_wait3A_296 = arith.constant 0 : i32
        %dma_wait3A_297 = arith.constant 0 : i32
        %dma_wait3A_298 = tpu.memref_slice %arg9[%rem3A_274, %dma_wait3A_296, %dma_wait3A_297] : memref<2x64x128xf32, #tpu.memory_space<vmem>> -> memref<1x64x128xf32, #tpu.memory_space<vmem>>
        %dma_wait3A_299 = tpu.memref_squeeze %dma_wait3A_298 : memref<1x64x128xf32, #tpu.memory_space<vmem>> -> memref<64x128xf32, #tpu.memory_space<vmem>>
        %dma_wait3A_300 = arith.constant 0 : i32
        %dma_wait3A_301 = arith.constant 0 : i32
        %dma_wait3A_302 = tpu.memref_slice %arg3[%dma_wait3A_300, %dma_wait3A_301] : memref<320000x128xf32, #tpu.memory_space<hbm>> -> memref<64x128xf32, #tpu.memory_space<hbm>>
        %dma_wait3A_303 = tpu.memref_slice %arg12[%rem3A_274] : memref<2x!tpu.dma_semaphore, #tpu.memory_space<semaphore_mem>> -> memref<1x!tpu.dma_semaphore, #tpu.memory_space<semaphore_mem>>
        %dma_wait3A_304 = tpu.memref_squeeze %dma_wait3A_303 : memref<1x!tpu.dma_semaphore, #tpu.memory_space<semaphore_mem>> -> memref<!tpu.dma_semaphore, #tpu.memory_space<semaphore_mem>>
        %dma_wait3A_305 = arith.constant 0 : i32
        %dma_wait3A_306 = arith.constant 0 : i32
        %dma_wait3A_307 = tpu.memref_slice %arg9[%rem3A_274, %dma_wait3A_305, %dma_wait3A_306] : memref<2x64x128xf32, #tpu.memory_space<vmem>> -> memref<1x64x128xf32, #tpu.memory_space<vmem>>
        %dma_wait3A_308 = tpu.memref_squeeze %dma_wait3A_307 : memref<1x64x128xf32, #tpu.memory_space<vmem>> -> memref<64x128xf32, #tpu.memory_space<vmem>>
        %dma_wait3A_309 = arith.constant 0 : i32
        %dma_wait3A_310 = arith.constant 0 : i32
        %dma_wait3A_311 = tpu.memref_slice %arg3[%dma_wait3A_309, %dma_wait3A_310] : memref<320000x128xf32, #tpu.memory_space<hbm>> -> memref<64x128xf32, #tpu.memory_space<hbm>>
        tpu.wait_dma2 semaphore(%dma_wait3A_304 : memref<!tpu.dma_semaphore, #tpu.memory_space<semaphore_mem>>) src(%dma_wait3A_311 : memref<64x128xf32, #tpu.memory_space<hbm>>) dst(%dma_wait3A_308 : memref<64x128xf32, #tpu.memory_space<vmem>>)
        %dma_start3A_312 = arith.constant 0 : i32
        %dma_start3A_313 = arith.constant 0 : i32
        %dma_start3A_314 = arith.constant 0 : i32
        %dma_start3A_315 = tpu.memref_slice %arg8[%rem3A_274, %dma_start3A_313, %dma_start3A_314] : memref<2x64x128xf32, #tpu.memory_space<vmem>> -> memref<1x64x128xf32, #tpu.memory_space<vmem>>
        %dma_start3A_316 = tpu.memref_squeeze %dma_start3A_315 : memref<1x64x128xf32, #tpu.memory_space<vmem>> -> memref<64x128xf32, #tpu.memory_space<vmem>>
        %dma_start3A_317 = arith.constant 0 : i32
        %dma_start3A_318 = tpu.memref_slice %arg7[%scan3A_272, %dma_start3A_312, %dma_start3A_317] : memref<39x1x64xi32, #tpu.memory_space<vmem>> -> memref<1x1x64xi32, #tpu.memory_space<vmem>>
        %dma_start3A_319 = tpu.memref_squeeze %dma_start3A_318 : memref<1x1x64xi32, #tpu.memory_space<vmem>> -> memref<64xi32, #tpu.memory_space<vmem>>
        %dma_start3A_320 = arith.constant 0 : i32
        %dma_start3A_321 = arith.constant 0 : i32
        %dma_start3A_322 = tpu.memref_slice %arg10[%dma_start3A_320, %dma_start3A_321] : memref<10000x128xf32, #tpu.memory_space<vmem_shared>> -> memref<10000x128xf32, #tpu.memory_space<vmem_shared>>
        %dma_start3A_323 = tpu.memref_slice %arg13[%rem3A_274] : memref<2x!tpu.dma_semaphore, #tpu.memory_space<semaphore_mem>> -> memref<1x!tpu.dma_semaphore, #tpu.memory_space<semaphore_mem>>
        %dma_start3A_324 = tpu.memref_squeeze %dma_start3A_323 : memref<1x!tpu.dma_semaphore, #tpu.memory_space<semaphore_mem>> -> memref<!tpu.dma_semaphore, #tpu.memory_space<semaphore_mem>>
        tpu.enqueue_indirect_dma source(%dma_start3A_316 : memref<64x128xf32, #tpu.memory_space<vmem>>) target(%dma_start3A_322 : memref<10000x128xf32, #tpu.memory_space<vmem_shared>>) offsets(%dma_start3A_319 : memref<64xi32, #tpu.memory_space<vmem>>) semaphore(%dma_start3A_324 : memref<!tpu.dma_semaphore, #tpu.memory_space<semaphore_mem>>) {add = true}
        %dma_start3A_325 = arith.constant 0 : i32
        %dma_start3A_326 = arith.constant 0 : i32
        %dma_start3A_327 = arith.constant 0 : i32
        %dma_start3A_328 = tpu.memref_slice %arg9[%rem3A_274, %dma_start3A_326, %dma_start3A_327] : memref<2x64x128xf32, #tpu.memory_space<vmem>> -> memref<1x64x128xf32, #tpu.memory_space<vmem>>
        %dma_start3A_329 = tpu.memref_squeeze %dma_start3A_328 : memref<1x64x128xf32, #tpu.memory_space<vmem>> -> memref<64x128xf32, #tpu.memory_space<vmem>>
        %dma_start3A_330 = arith.constant 0 : i32
        %dma_start3A_331 = tpu.memref_slice %arg7[%scan3A_272, %dma_start3A_325, %dma_start3A_330] : memref<39x1x64xi32, #tpu.memory_space<vmem>> -> memref<1x1x64xi32, #tpu.memory_space<vmem>>
        %dma_start3A_332 = tpu.memref_squeeze %dma_start3A_331 : memref<1x1x64xi32, #tpu.memory_space<vmem>> -> memref<64xi32, #tpu.memory_space<vmem>>
        %dma_start3A_333 = arith.constant 0 : i32
        %dma_start3A_334 = arith.constant 0 : i32
        %dma_start3A_335 = tpu.memref_slice %arg10[%dma_start3A_333, %dma_start3A_334] : memref<10000x128xf32, #tpu.memory_space<vmem_shared>> -> memref<10000x128xf32, #tpu.memory_space<vmem_shared>>
        %dma_start3A_336 = tpu.memref_slice %arg14[%rem3A_274] : memref<2x!tpu.dma_semaphore, #tpu.memory_space<semaphore_mem>> -> memref<1x!tpu.dma_semaphore, #tpu.memory_space<semaphore_mem>>
        %dma_start3A_337 = tpu.memref_squeeze %dma_start3A_336 : memref<1x!tpu.dma_semaphore, #tpu.memory_space<semaphore_mem>> -> memref<!tpu.dma_semaphore, #tpu.memory_space<semaphore_mem>>
        tpu.enqueue_indirect_dma source(%dma_start3A_329 : memref<64x128xf32, #tpu.memory_space<vmem>>) target(%dma_start3A_335 : memref<10000x128xf32, #tpu.memory_space<vmem_shared>>) offsets(%dma_start3A_332 : memref<64xi32, #tpu.memory_space<vmem>>) semaphore(%dma_start3A_337 : memref<!tpu.dma_semaphore, #tpu.memory_space<semaphore_mem>>) {add = true}
      }
      %scan3A_211 = arith.constant 39 : i32
      %rem3A = arith.constant 39 : i32
      %rem3A_212 = arith.constant 2 : i32
      %rem3A_213 = arith.remsi %rem3A, %rem3A_212 : i32
      %dma_wait3A = arith.constant 37 : i32
      %dma_wait3A_214 = arith.constant 0 : i32
      %dma_wait3A_215 = arith.constant 0 : i32
      %dma_wait3A_216 = arith.constant 0 : i32
      %dma_wait3A_217 = tpu.memref_slice %arg8[%rem3A_213, %dma_wait3A_215, %dma_wait3A_216] : memref<2x64x128xf32, #tpu.memory_space<vmem>> -> memref<1x64x128xf32, #tpu.memory_space<vmem>>
      %dma_wait3A_218 = tpu.memref_squeeze %dma_wait3A_217 : memref<1x64x128xf32, #tpu.memory_space<vmem>> -> memref<64x128xf32, #tpu.memory_space<vmem>>
      %dma_wait3A_219 = arith.constant 0 : i32
      %dma_wait3A_220 = tpu.memref_slice %arg7[%dma_wait3A, %dma_wait3A_214, %dma_wait3A_219] : memref<39x1x64xi32, #tpu.memory_space<vmem>> -> memref<1x1x64xi32, #tpu.memory_space<vmem>>
      %dma_wait3A_221 = tpu.memref_squeeze %dma_wait3A_220 : memref<1x1x64xi32, #tpu.memory_space<vmem>> -> memref<64xi32, #tpu.memory_space<vmem>>
      %dma_wait3A_222 = arith.constant 0 : i32
      %dma_wait3A_223 = arith.constant 0 : i32
      %dma_wait3A_224 = tpu.memref_slice %arg10[%dma_wait3A_222, %dma_wait3A_223] : memref<10000x128xf32, #tpu.memory_space<vmem_shared>> -> memref<10000x128xf32, #tpu.memory_space<vmem_shared>>
      %dma_wait3A_225 = tpu.memref_slice %arg13[%rem3A_213] : memref<2x!tpu.dma_semaphore, #tpu.memory_space<semaphore_mem>> -> memref<1x!tpu.dma_semaphore, #tpu.memory_space<semaphore_mem>>
      %dma_wait3A_226 = tpu.memref_squeeze %dma_wait3A_225 : memref<1x!tpu.dma_semaphore, #tpu.memory_space<semaphore_mem>> -> memref<!tpu.dma_semaphore, #tpu.memory_space<semaphore_mem>>
      tpu.wait_indirect_dma semaphore(%dma_wait3A_226 : memref<!tpu.dma_semaphore, #tpu.memory_space<semaphore_mem>>) src(%dma_wait3A_218 : memref<64x128xf32, #tpu.memory_space<vmem>>) dst(%dma_wait3A_224 : memref<10000x128xf32, #tpu.memory_space<vmem_shared>>)
      %dma_wait3A_227 = arith.constant 37 : i32
      %dma_wait3A_228 = arith.constant 0 : i32
      %dma_wait3A_229 = arith.constant 0 : i32
      %dma_wait3A_230 = arith.constant 0 : i32
      %dma_wait3A_231 = tpu.memref_slice %arg9[%rem3A_213, %dma_wait3A_229, %dma_wait3A_230] : memref<2x64x128xf32, #tpu.memory_space<vmem>> -> memref<1x64x128xf32, #tpu.memory_space<vmem>>
      %dma_wait3A_232 = tpu.memref_squeeze %dma_wait3A_231 : memref<1x64x128xf32, #tpu.memory_space<vmem>> -> memref<64x128xf32, #tpu.memory_space<vmem>>
      %dma_wait3A_233 = arith.constant 0 : i32
      %dma_wait3A_234 = tpu.memref_slice %arg7[%dma_wait3A_227, %dma_wait3A_228, %dma_wait3A_233] : memref<39x1x64xi32, #tpu.memory_space<vmem>> -> memref<1x1x64xi32, #tpu.memory_space<vmem>>
      %dma_wait3A_235 = tpu.memref_squeeze %dma_wait3A_234 : memref<1x1x64xi32, #tpu.memory_space<vmem>> -> memref<64xi32, #tpu.memory_space<vmem>>
      %dma_wait3A_236 = arith.constant 0 : i32
      %dma_wait3A_237 = arith.constant 0 : i32
      %dma_wait3A_238 = tpu.memref_slice %arg10[%dma_wait3A_236, %dma_wait3A_237] : memref<10000x128xf32, #tpu.memory_space<vmem_shared>> -> memref<10000x128xf32, #tpu.memory_space<vmem_shared>>
      %dma_wait3A_239 = tpu.memref_slice %arg14[%rem3A_213] : memref<2x!tpu.dma_semaphore, #tpu.memory_space<semaphore_mem>> -> memref<1x!tpu.dma_semaphore, #tpu.memory_space<semaphore_mem>>
      %dma_wait3A_240 = tpu.memref_squeeze %dma_wait3A_239 : memref<1x!tpu.dma_semaphore, #tpu.memory_space<semaphore_mem>> -> memref<!tpu.dma_semaphore, #tpu.memory_space<semaphore_mem>>
      tpu.wait_indirect_dma semaphore(%dma_wait3A_240 : memref<!tpu.dma_semaphore, #tpu.memory_space<semaphore_mem>>) src(%dma_wait3A_232 : memref<64x128xf32, #tpu.memory_space<vmem>>) dst(%dma_wait3A_238 : memref<10000x128xf32, #tpu.memory_space<vmem_shared>>)
      %rem3A_241 = arith.constant 38 : i32
      %rem3A_242 = arith.constant 2 : i32
      %rem3A_243 = arith.remsi %rem3A_241, %rem3A_242 : i32
      %dma_wait3A_244 = arith.constant 38 : i32
      %dma_wait3A_245 = arith.constant 0 : i32
      %dma_wait3A_246 = arith.constant 0 : i32
      %dma_wait3A_247 = arith.constant 0 : i32
      %dma_wait3A_248 = tpu.memref_slice %arg8[%rem3A_243, %dma_wait3A_246, %dma_wait3A_247] : memref<2x64x128xf32, #tpu.memory_space<vmem>> -> memref<1x64x128xf32, #tpu.memory_space<vmem>>
      %dma_wait3A_249 = tpu.memref_squeeze %dma_wait3A_248 : memref<1x64x128xf32, #tpu.memory_space<vmem>> -> memref<64x128xf32, #tpu.memory_space<vmem>>
      %dma_wait3A_250 = arith.constant 0 : i32
      %dma_wait3A_251 = tpu.memref_slice %arg7[%dma_wait3A_244, %dma_wait3A_245, %dma_wait3A_250] : memref<39x1x64xi32, #tpu.memory_space<vmem>> -> memref<1x1x64xi32, #tpu.memory_space<vmem>>
      %dma_wait3A_252 = tpu.memref_squeeze %dma_wait3A_251 : memref<1x1x64xi32, #tpu.memory_space<vmem>> -> memref<64xi32, #tpu.memory_space<vmem>>
      %dma_wait3A_253 = arith.constant 0 : i32
      %dma_wait3A_254 = arith.constant 0 : i32
      %dma_wait3A_255 = tpu.memref_slice %arg10[%dma_wait3A_253, %dma_wait3A_254] : memref<10000x128xf32, #tpu.memory_space<vmem_shared>> -> memref<10000x128xf32, #tpu.memory_space<vmem_shared>>
      %dma_wait3A_256 = tpu.memref_slice %arg13[%rem3A_243] : memref<2x!tpu.dma_semaphore, #tpu.memory_space<semaphore_mem>> -> memref<1x!tpu.dma_semaphore, #tpu.memory_space<semaphore_mem>>
      %dma_wait3A_257 = tpu.memref_squeeze %dma_wait3A_256 : memref<1x!tpu.dma_semaphore, #tpu.memory_space<semaphore_mem>> -> memref<!tpu.dma_semaphore, #tpu.memory_space<semaphore_mem>>
      tpu.wait_indirect_dma semaphore(%dma_wait3A_257 : memref<!tpu.dma_semaphore, #tpu.memory_space<semaphore_mem>>) src(%dma_wait3A_249 : memref<64x128xf32, #tpu.memory_space<vmem>>) dst(%dma_wait3A_255 : memref<10000x128xf32, #tpu.memory_space<vmem_shared>>)
      %dma_wait3A_258 = arith.constant 38 : i32
      %dma_wait3A_259 = arith.constant 0 : i32
      %dma_wait3A_260 = arith.constant 0 : i32
      %dma_wait3A_261 = arith.constant 0 : i32
      %dma_wait3A_262 = tpu.memref_slice %arg9[%rem3A_243, %dma_wait3A_260, %dma_wait3A_261] : memref<2x64x128xf32, #tpu.memory_space<vmem>> -> memref<1x64x128xf32, #tpu.memory_space<vmem>>
      %dma_wait3A_263 = tpu.memref_squeeze %dma_wait3A_262 : memref<1x64x128xf32, #tpu.memory_space<vmem>> -> memref<64x128xf32, #tpu.memory_space<vmem>>
      %dma_wait3A_264 = arith.constant 0 : i32
      %dma_wait3A_265 = tpu.memref_slice %arg7[%dma_wait3A_258, %dma_wait3A_259, %dma_wait3A_264] : memref<39x1x64xi32, #tpu.memory_space<vmem>> -> memref<1x1x64xi32, #tpu.memory_space<vmem>>
      %dma_wait3A_266 = tpu.memref_squeeze %dma_wait3A_265 : memref<1x1x64xi32, #tpu.memory_space<vmem>> -> memref<64xi32, #tpu.memory_space<vmem>>
      %dma_wait3A_267 = arith.constant 0 : i32
      %dma_wait3A_268 = arith.constant 0 : i32
      %dma_wait3A_269 = tpu.memref_slice %arg10[%dma_wait3A_267, %dma_wait3A_268] : memref<10000x128xf32, #tpu.memory_space<vmem_shared>> -> memref<10000x128xf32, #tpu.memory_space<vmem_shared>>
      %dma_wait3A_270 = tpu.memref_slice %arg14[%rem3A_243] : memref<2x!tpu.dma_semaphore, #tpu.memory_space<semaphore_mem>> -> memref<1x!tpu.dma_semaphore, #tpu.memory_space<semaphore_mem>>
      %dma_wait3A_271 = tpu.memref_squeeze %dma_wait3A_270 : memref<1x!tpu.dma_semaphore, #tpu.memory_space<semaphore_mem>> -> memref<!tpu.dma_semaphore, #tpu.memory_space<semaphore_mem>>
      tpu.wait_indirect_dma semaphore(%dma_wait3A_271 : memref<!tpu.dma_semaphore, #tpu.memory_space<semaphore_mem>>) src(%dma_wait3A_263 : memref<64x128xf32, #tpu.memory_space<vmem>>) dst(%dma_wait3A_269 : memref<10000x128xf32, #tpu.memory_space<vmem_shared>>)
    }
    %scan3A_86 = arith.constant 4 : i32
    %lt3A_87 = arith.constant 8 : i32
    %lt3A_88 = arith.cmpi slt, %add3A, %lt3A_87 : i32
    %convert_element_type3A_89 = arith.extui %lt3A_88 : i1 to i32
    %cond3A_90 = arith.constant 0 : i32
    %cond3A_91 = arith.cmpi ne, %convert_element_type3A_89, %cond3A_90 : i32
    scf.if %cond3A_91 {
      %add3A_168 = arith.constant 156 : i32
      %add3A_169 = arith.addi %add3A_4, %add3A_168 : i32
      %run_scoped3A = arith.constant 0 : i32
      "tpu.region"() ({
        %run_scoped3A_183 = tpu.sem_alloc : memref<!tpu.dma_semaphore, #tpu.memory_space<semaphore_mem>>
        %dma_start3A = arith.constant 0 : i32
        %dma_start3A_184 = arith.constant 0 : i32
        %dma_start3A_185 = arith.constant 0 : i32
        %dma_start3A_186 = tpu.memref_slice %arg6[%dma_start3A, %dma_start3A_184, %dma_start3A_185] : memref<39x1x64xi32, #tpu.memory_space<vmem>> -> memref<1x1x64xi32, #tpu.memory_space<vmem>>
        %dma_start3A_187 = arith.constant 0 : i32
        %dma_start3A_188 = arith.constant 0 : i32
        %dma_start3A_189 = tpu.memref_slice %arg4[%run_scoped3A, %add3A_169, %dma_start3A_187, %dma_start3A_188] : memref<2x5000x1x64xi32, #tpu.memory_space<hbm>> -> memref<1x1x1x64xi32, #tpu.memory_space<hbm>>
        %dma_start3A_190 = tpu.memref_squeeze %dma_start3A_189 : memref<1x1x1x64xi32, #tpu.memory_space<hbm>> -> memref<1x1x64xi32, #tpu.memory_space<hbm>>
        %dma_start3A_191 = arith.constant 0 : i32
        %dma_start3A_192 = arith.constant 0 : i32
        %dma_start3A_193 = arith.constant 0 : i32
        %dma_start3A_194 = tpu.memref_slice %arg6[%dma_start3A_191, %dma_start3A_192, %dma_start3A_193] : memref<39x1x64xi32, #tpu.memory_space<vmem>> -> memref<1x1x64xi32, #tpu.memory_space<vmem>>
        %dma_start3A_195 = arith.constant 0 : i32
        %dma_start3A_196 = arith.constant 0 : i32
        %dma_start3A_197 = tpu.memref_slice %arg4[%run_scoped3A, %add3A_169, %dma_start3A_195, %dma_start3A_196] : memref<2x5000x1x64xi32, #tpu.memory_space<hbm>> -> memref<1x1x1x64xi32, #tpu.memory_space<hbm>>
        %dma_start3A_198 = tpu.memref_squeeze %dma_start3A_197 : memref<1x1x1x64xi32, #tpu.memory_space<hbm>> -> memref<1x1x64xi32, #tpu.memory_space<hbm>>
        tpu.enqueue_dma source(%dma_start3A_198 : memref<1x1x64xi32, #tpu.memory_space<hbm>>) target(%dma_start3A_194 : memref<1x1x64xi32, #tpu.memory_space<vmem>>) target_semaphore(%run_scoped3A_183 : memref<!tpu.dma_semaphore, #tpu.memory_space<semaphore_mem>>)
        %dma_wait3A = arith.constant 0 : i32
        %dma_wait3A_199 = arith.constant 0 : i32
        %dma_wait3A_200 = arith.constant 0 : i32
        %dma_wait3A_201 = tpu.memref_slice %arg6[%dma_wait3A, %dma_wait3A_199, %dma_wait3A_200] : memref<39x1x64xi32, #tpu.memory_space<vmem>> -> memref<1x1x64xi32, #tpu.memory_space<vmem>>
        %dma_wait3A_202 = arith.constant 0 : i32
        %dma_wait3A_203 = arith.constant 0 : i32
        %dma_wait3A_204 = tpu.memref_slice %arg4[%run_scoped3A, %add3A_169, %dma_wait3A_202, %dma_wait3A_203] : memref<2x5000x1x64xi32, #tpu.memory_space<hbm>> -> memref<1x1x1x64xi32, #tpu.memory_space<hbm>>
        %dma_wait3A_205 = tpu.memref_squeeze %dma_wait3A_204 : memref<1x1x1x64xi32, #tpu.memory_space<hbm>> -> memref<1x1x64xi32, #tpu.memory_space<hbm>>
        %dma_wait3A_206 = arith.constant 0 : i32
        %dma_wait3A_207 = arith.constant 0 : i32
        %dma_wait3A_208 = arith.constant 0 : i32
        %dma_wait3A_209 = tpu.memref_slice %arg6[%dma_wait3A_206, %dma_wait3A_207, %dma_wait3A_208] : memref<39x1x64xi32, #tpu.memory_space<vmem>> -> memref<1x1x64xi32, #tpu.memory_space<vmem>>
        %dma_wait3A_210 = arith.constant 0 : i32
        %dma_wait3A_211 = arith.constant 0 : i32
        %dma_wait3A_212 = tpu.memref_slice %arg4[%run_scoped3A, %add3A_169, %dma_wait3A_210, %dma_wait3A_211] : memref<2x5000x1x64xi32, #tpu.memory_space<hbm>> -> memref<1x1x1x64xi32, #tpu.memory_space<hbm>>
        %dma_wait3A_213 = tpu.memref_squeeze %dma_wait3A_212 : memref<1x1x1x64xi32, #tpu.memory_space<hbm>> -> memref<1x1x64xi32, #tpu.memory_space<hbm>>
        tpu.wait_dma2 semaphore(%run_scoped3A_183 : memref<!tpu.dma_semaphore, #tpu.memory_space<semaphore_mem>>) src(%dma_wait3A_213 : memref<1x1x64xi32, #tpu.memory_space<hbm>>) dst(%dma_wait3A_209 : memref<1x1x64xi32, #tpu.memory_space<vmem>>)
        tpu.yield
      }) : () -> ()
      %run_scoped3A_170 = arith.constant 1 : i32
      "tpu.region"() ({
        %run_scoped3A_183 = tpu.sem_alloc : memref<!tpu.dma_semaphore, #tpu.memory_space<semaphore_mem>>
        %dma_start3A = arith.constant 0 : i32
        %dma_start3A_184 = arith.constant 0 : i32
        %dma_start3A_185 = arith.constant 0 : i32
        %dma_start3A_186 = tpu.memref_slice %arg7[%dma_start3A, %dma_start3A_184, %dma_start3A_185] : memref<39x1x64xi32, #tpu.memory_space<vmem>> -> memref<1x1x64xi32, #tpu.memory_space<vmem>>
        %dma_start3A_187 = arith.constant 0 : i32
        %dma_start3A_188 = arith.constant 0 : i32
        %dma_start3A_189 = tpu.memref_slice %arg4[%run_scoped3A_170, %add3A_169, %dma_start3A_187, %dma_start3A_188] : memref<2x5000x1x64xi32, #tpu.memory_space<hbm>> -> memref<1x1x1x64xi32, #tpu.memory_space<hbm>>
        %dma_start3A_190 = tpu.memref_squeeze %dma_start3A_189 : memref<1x1x1x64xi32, #tpu.memory_space<hbm>> -> memref<1x1x64xi32, #tpu.memory_space<hbm>>
        %dma_start3A_191 = arith.constant 0 : i32
        %dma_start3A_192 = arith.constant 0 : i32
        %dma_start3A_193 = arith.constant 0 : i32
        %dma_start3A_194 = tpu.memref_slice %arg7[%dma_start3A_191, %dma_start3A_192, %dma_start3A_193] : memref<39x1x64xi32, #tpu.memory_space<vmem>> -> memref<1x1x64xi32, #tpu.memory_space<vmem>>
        %dma_start3A_195 = arith.constant 0 : i32
        %dma_start3A_196 = arith.constant 0 : i32
        %dma_start3A_197 = tpu.memref_slice %arg4[%run_scoped3A_170, %add3A_169, %dma_start3A_195, %dma_start3A_196] : memref<2x5000x1x64xi32, #tpu.memory_space<hbm>> -> memref<1x1x1x64xi32, #tpu.memory_space<hbm>>
        %dma_start3A_198 = tpu.memref_squeeze %dma_start3A_197 : memref<1x1x1x64xi32, #tpu.memory_space<hbm>> -> memref<1x1x64xi32, #tpu.memory_space<hbm>>
        tpu.enqueue_dma source(%dma_start3A_198 : memref<1x1x64xi32, #tpu.memory_space<hbm>>) target(%dma_start3A_194 : memref<1x1x64xi32, #tpu.memory_space<vmem>>) target_semaphore(%run_scoped3A_183 : memref<!tpu.dma_semaphore, #tpu.memory_space<semaphore_mem>>)
        %dma_wait3A = arith.constant 0 : i32
        %dma_wait3A_199 = arith.constant 0 : i32
        %dma_wait3A_200 = arith.constant 0 : i32
        %dma_wait3A_201 = tpu.memref_slice %arg7[%dma_wait3A, %dma_wait3A_199, %dma_wait3A_200] : memref<39x1x64xi32, #tpu.memory_space<vmem>> -> memref<1x1x64xi32, #tpu.memory_space<vmem>>
        %dma_wait3A_202 = arith.constant 0 : i32
        %dma_wait3A_203 = arith.constant 0 : i32
        %dma_wait3A_204 = tpu.memref_slice %arg4[%run_scoped3A_170, %add3A_169, %dma_wait3A_202, %dma_wait3A_203] : memref<2x5000x1x64xi32, #tpu.memory_space<hbm>> -> memref<1x1x1x64xi32, #tpu.memory_space<hbm>>
        %dma_wait3A_205 = tpu.memref_squeeze %dma_wait3A_204 : memref<1x1x1x64xi32, #tpu.memory_space<hbm>> -> memref<1x1x64xi32, #tpu.memory_space<hbm>>
        %dma_wait3A_206 = arith.constant 0 : i32
        %dma_wait3A_207 = arith.constant 0 : i32
        %dma_wait3A_208 = arith.constant 0 : i32
        %dma_wait3A_209 = tpu.memref_slice %arg7[%dma_wait3A_206, %dma_wait3A_207, %dma_wait3A_208] : memref<39x1x64xi32, #tpu.memory_space<vmem>> -> memref<1x1x64xi32, #tpu.memory_space<vmem>>
        %dma_wait3A_210 = arith.constant 0 : i32
        %dma_wait3A_211 = arith.constant 0 : i32
        %dma_wait3A_212 = tpu.memref_slice %arg4[%run_scoped3A_170, %add3A_169, %dma_wait3A_210, %dma_wait3A_211] : memref<2x5000x1x64xi32, #tpu.memory_space<hbm>> -> memref<1x1x1x64xi32, #tpu.memory_space<hbm>>
        %dma_wait3A_213 = tpu.memref_squeeze %dma_wait3A_212 : memref<1x1x1x64xi32, #tpu.memory_space<hbm>> -> memref<1x1x64xi32, #tpu.memory_space<hbm>>
        tpu.wait_dma2 semaphore(%run_scoped3A_183 : memref<!tpu.dma_semaphore, #tpu.memory_space<semaphore_mem>>) src(%dma_wait3A_213 : memref<1x1x64xi32, #tpu.memory_space<hbm>>) dst(%dma_wait3A_209 : memref<1x1x64xi32, #tpu.memory_space<vmem>>)
        tpu.yield
      }) : () -> ()
      %run_scoped3A_171 = arith.constant 0 : i32
      %run_scoped3A_172 = arith.constant 0 : i32
      %run_scoped3A_173 = arith.constant 0 : i32
      "tpu.region"() ({
        %run_scoped3A_183 = tpu.sem_alloc : memref<!tpu.dma_semaphore, #tpu.memory_space<semaphore_mem>>
        %dma_start3A = arith.constant 0 : i32
        %dma_start3A_184 = arith.constant 0 : i32
        %dma_start3A_185 = tpu.memref_slice %arg8[%run_scoped3A_173, %dma_start3A, %dma_start3A_184] : memref<2x64x128xf32, #tpu.memory_space<vmem>> -> memref<1x64x128xf32, #tpu.memory_space<vmem>>
        %dma_start3A_186 = tpu.memref_squeeze %dma_start3A_185 : memref<1x64x128xf32, #tpu.memory_space<vmem>> -> memref<64x128xf32, #tpu.memory_space<vmem>>
        %dma_start3A_187 = arith.constant 0 : i32
        %dma_start3A_188 = tpu.memref_slice %arg6[%run_scoped3A_171, %run_scoped3A_172, %dma_start3A_187] : memref<39x1x64xi32, #tpu.memory_space<vmem>> -> memref<1x1x64xi32, #tpu.memory_space<vmem>>
        %dma_start3A_189 = tpu.memref_squeeze %dma_start3A_188 : memref<1x1x64xi32, #tpu.memory_space<vmem>> -> memref<64xi32, #tpu.memory_space<vmem>>
        %dma_start3A_190 = arith.constant 0 : i32
        %dma_start3A_191 = arith.constant 0 : i32
        %dma_start3A_192 = tpu.memref_slice %arg2[%dma_start3A_190, %dma_start3A_191] : memref<10000x128xf32, #tpu.memory_space<hbm>> -> memref<10000x128xf32, #tpu.memory_space<hbm>>
        tpu.enqueue_indirect_dma source(%dma_start3A_192 : memref<10000x128xf32, #tpu.memory_space<hbm>>) target(%dma_start3A_186 : memref<64x128xf32, #tpu.memory_space<vmem>>) offsets(%dma_start3A_189 : memref<64xi32, #tpu.memory_space<vmem>>) semaphore(%run_scoped3A_183 : memref<!tpu.dma_semaphore, #tpu.memory_space<semaphore_mem>>)
        %dma_wait3A = arith.constant 0 : i32
        %dma_wait3A_193 = arith.constant 0 : i32
        %dma_wait3A_194 = tpu.memref_slice %arg8[%run_scoped3A_173, %dma_wait3A, %dma_wait3A_193] : memref<2x64x128xf32, #tpu.memory_space<vmem>> -> memref<1x64x128xf32, #tpu.memory_space<vmem>>
        %dma_wait3A_195 = tpu.memref_squeeze %dma_wait3A_194 : memref<1x64x128xf32, #tpu.memory_space<vmem>> -> memref<64x128xf32, #tpu.memory_space<vmem>>
        %dma_wait3A_196 = arith.constant 0 : i32
        %dma_wait3A_197 = tpu.memref_slice %arg6[%run_scoped3A_171, %run_scoped3A_172, %dma_wait3A_196] : memref<39x1x64xi32, #tpu.memory_space<vmem>> -> memref<1x1x64xi32, #tpu.memory_space<vmem>>
        %dma_wait3A_198 = tpu.memref_squeeze %dma_wait3A_197 : memref<1x1x64xi32, #tpu.memory_space<vmem>> -> memref<64xi32, #tpu.memory_space<vmem>>
        %dma_wait3A_199 = arith.constant 0 : i32
        %dma_wait3A_200 = arith.constant 0 : i32
        %dma_wait3A_201 = tpu.memref_slice %arg2[%dma_wait3A_199, %dma_wait3A_200] : memref<10000x128xf32, #tpu.memory_space<hbm>> -> memref<10000x128xf32, #tpu.memory_space<hbm>>
        tpu.wait_indirect_dma semaphore(%run_scoped3A_183 : memref<!tpu.dma_semaphore, #tpu.memory_space<semaphore_mem>>) src(%dma_wait3A_201 : memref<10000x128xf32, #tpu.memory_space<hbm>>) dst(%dma_wait3A_195 : memref<64x128xf32, #tpu.memory_space<vmem>>)
        tpu.yield
      }) : () -> ()
      %mul3A_174 = arith.constant 64 : i32
      %mul3A_175 = arith.muli %add3A_169, %mul3A_174 : i32
      %run_scoped3A_176 = arith.constant 0 : i32
      "tpu.region"() ({
        %run_scoped3A_183 = tpu.sem_alloc : memref<!tpu.dma_semaphore, #tpu.memory_space<semaphore_mem>>
        %dma_start3A = arith.constant 0 : i32
        %dma_start3A_184 = arith.constant 0 : i32
        %dma_start3A_185 = tpu.memref_slice %arg9[%run_scoped3A_176, %dma_start3A, %dma_start3A_184] : memref<2x64x128xf32, #tpu.memory_space<vmem>> -> memref<1x64x128xf32, #tpu.memory_space<vmem>>
        %dma_start3A_186 = tpu.memref_squeeze %dma_start3A_185 : memref<1x64x128xf32, #tpu.memory_space<vmem>> -> memref<64x128xf32, #tpu.memory_space<vmem>>
        %dma_start3A_187 = arith.constant 0 : i32
        %dma_start3A_188 = tpu.memref_slice %arg3[%mul3A_175, %dma_start3A_187] : memref<320000x128xf32, #tpu.memory_space<hbm>> -> memref<64x128xf32, #tpu.memory_space<hbm>>
        %dma_start3A_189 = arith.constant 0 : i32
        %dma_start3A_190 = arith.constant 0 : i32
        %dma_start3A_191 = tpu.memref_slice %arg9[%run_scoped3A_176, %dma_start3A_189, %dma_start3A_190] : memref<2x64x128xf32, #tpu.memory_space<vmem>> -> memref<1x64x128xf32, #tpu.memory_space<vmem>>
        %dma_start3A_192 = tpu.memref_squeeze %dma_start3A_191 : memref<1x64x128xf32, #tpu.memory_space<vmem>> -> memref<64x128xf32, #tpu.memory_space<vmem>>
        %dma_start3A_193 = arith.constant 0 : i32
        %dma_start3A_194 = tpu.memref_slice %arg3[%mul3A_175, %dma_start3A_193] : memref<320000x128xf32, #tpu.memory_space<hbm>> -> memref<64x128xf32, #tpu.memory_space<hbm>>
        tpu.enqueue_dma source(%dma_start3A_194 : memref<64x128xf32, #tpu.memory_space<hbm>>) target(%dma_start3A_192 : memref<64x128xf32, #tpu.memory_space<vmem>>) target_semaphore(%run_scoped3A_183 : memref<!tpu.dma_semaphore, #tpu.memory_space<semaphore_mem>>)
        %dma_wait3A = arith.constant 0 : i32
        %dma_wait3A_195 = arith.constant 0 : i32
        %dma_wait3A_196 = tpu.memref_slice %arg9[%run_scoped3A_176, %dma_wait3A, %dma_wait3A_195] : memref<2x64x128xf32, #tpu.memory_space<vmem>> -> memref<1x64x128xf32, #tpu.memory_space<vmem>>
        %dma_wait3A_197 = tpu.memref_squeeze %dma_wait3A_196 : memref<1x64x128xf32, #tpu.memory_space<vmem>> -> memref<64x128xf32, #tpu.memory_space<vmem>>
        %dma_wait3A_198 = arith.constant 0 : i32
        %dma_wait3A_199 = tpu.memref_slice %arg3[%mul3A_175, %dma_wait3A_198] : memref<320000x128xf32, #tpu.memory_space<hbm>> -> memref<64x128xf32, #tpu.memory_space<hbm>>
        %dma_wait3A_200 = arith.constant 0 : i32
        %dma_wait3A_201 = arith.constant 0 : i32
        %dma_wait3A_202 = tpu.memref_slice %arg9[%run_scoped3A_176, %dma_wait3A_200, %dma_wait3A_201] : memref<2x64x128xf32, #tpu.memory_space<vmem>> -> memref<1x64x128xf32, #tpu.memory_space<vmem>>
        %dma_wait3A_203 = tpu.memref_squeeze %dma_wait3A_202 : memref<1x64x128xf32, #tpu.memory_space<vmem>> -> memref<64x128xf32, #tpu.memory_space<vmem>>
        %dma_wait3A_204 = arith.constant 0 : i32
        %dma_wait3A_205 = tpu.memref_slice %arg3[%mul3A_175, %dma_wait3A_204] : memref<320000x128xf32, #tpu.memory_space<hbm>> -> memref<64x128xf32, #tpu.memory_space<hbm>>
        tpu.wait_dma2 semaphore(%run_scoped3A_183 : memref<!tpu.dma_semaphore, #tpu.memory_space<semaphore_mem>>) src(%dma_wait3A_205 : memref<64x128xf32, #tpu.memory_space<hbm>>) dst(%dma_wait3A_203 : memref<64x128xf32, #tpu.memory_space<vmem>>)
        tpu.yield
      }) : () -> ()
      %run_scoped3A_177 = arith.constant 0 : i32
      %run_scoped3A_178 = arith.constant 0 : i32
      %run_scoped3A_179 = arith.constant 0 : i32
      "tpu.region"() ({
        %run_scoped3A_183 = tpu.sem_alloc : memref<!tpu.dma_semaphore, #tpu.memory_space<semaphore_mem>>
        %dma_start3A = arith.constant 0 : i32
        %dma_start3A_184 = arith.constant 0 : i32
        %dma_start3A_185 = tpu.memref_slice %arg8[%run_scoped3A_177, %dma_start3A, %dma_start3A_184] : memref<2x64x128xf32, #tpu.memory_space<vmem>> -> memref<1x64x128xf32, #tpu.memory_space<vmem>>
        %dma_start3A_186 = tpu.memref_squeeze %dma_start3A_185 : memref<1x64x128xf32, #tpu.memory_space<vmem>> -> memref<64x128xf32, #tpu.memory_space<vmem>>
        %dma_start3A_187 = arith.constant 0 : i32
        %dma_start3A_188 = tpu.memref_slice %arg7[%run_scoped3A_178, %run_scoped3A_179, %dma_start3A_187] : memref<39x1x64xi32, #tpu.memory_space<vmem>> -> memref<1x1x64xi32, #tpu.memory_space<vmem>>
        %dma_start3A_189 = tpu.memref_squeeze %dma_start3A_188 : memref<1x1x64xi32, #tpu.memory_space<vmem>> -> memref<64xi32, #tpu.memory_space<vmem>>
        %dma_start3A_190 = arith.constant 0 : i32
        %dma_start3A_191 = arith.constant 0 : i32
        %dma_start3A_192 = tpu.memref_slice %arg10[%dma_start3A_190, %dma_start3A_191] : memref<10000x128xf32, #tpu.memory_space<vmem_shared>> -> memref<10000x128xf32, #tpu.memory_space<vmem_shared>>
        tpu.enqueue_indirect_dma source(%dma_start3A_186 : memref<64x128xf32, #tpu.memory_space<vmem>>) target(%dma_start3A_192 : memref<10000x128xf32, #tpu.memory_space<vmem_shared>>) offsets(%dma_start3A_189 : memref<64xi32, #tpu.memory_space<vmem>>) semaphore(%run_scoped3A_183 : memref<!tpu.dma_semaphore, #tpu.memory_space<semaphore_mem>>) {add = true}
        %dma_wait3A = arith.constant 0 : i32
        %dma_wait3A_193 = arith.constant 0 : i32
        %dma_wait3A_194 = tpu.memref_slice %arg8[%run_scoped3A_177, %dma_wait3A, %dma_wait3A_193] : memref<2x64x128xf32, #tpu.memory_space<vmem>> -> memref<1x64x128xf32, #tpu.memory_space<vmem>>
        %dma_wait3A_195 = tpu.memref_squeeze %dma_wait3A_194 : memref<1x64x128xf32, #tpu.memory_space<vmem>> -> memref<64x128xf32, #tpu.memory_space<vmem>>
        %dma_wait3A_196 = arith.constant 0 : i32
        %dma_wait3A_197 = tpu.memref_slice %arg7[%run_scoped3A_178, %run_scoped3A_179, %dma_wait3A_196] : memref<39x1x64xi32, #tpu.memory_space<vmem>> -> memref<1x1x64xi32, #tpu.memory_space<vmem>>
        %dma_wait3A_198 = tpu.memref_squeeze %dma_wait3A_197 : memref<1x1x64xi32, #tpu.memory_space<vmem>> -> memref<64xi32, #tpu.memory_space<vmem>>
        %dma_wait3A_199 = arith.constant 0 : i32
        %dma_wait3A_200 = arith.constant 0 : i32
        %dma_wait3A_201 = tpu.memref_slice %arg10[%dma_wait3A_199, %dma_wait3A_200] : memref<10000x128xf32, #tpu.memory_space<vmem_shared>> -> memref<10000x128xf32, #tpu.memory_space<vmem_shared>>
        tpu.wait_indirect_dma semaphore(%run_scoped3A_183 : memref<!tpu.dma_semaphore, #tpu.memory_space<semaphore_mem>>) src(%dma_wait3A_195 : memref<64x128xf32, #tpu.memory_space<vmem>>) dst(%dma_wait3A_201 : memref<10000x128xf32, #tpu.memory_space<vmem_shared>>)
        tpu.yield
      }) : () -> ()
      %run_scoped3A_180 = arith.constant 0 : i32
      %run_scoped3A_181 = arith.constant 0 : i32
      %run_scoped3A_182 = arith.constant 0 : i32
      "tpu.region"() ({
        %run_scoped3A_183 = tpu.sem_alloc : memref<!tpu.dma_semaphore, #tpu.memory_space<semaphore_mem>>
        %dma_start3A = arith.constant 0 : i32
        %dma_start3A_184 = arith.constant 0 : i32
        %dma_start3A_185 = tpu.memref_slice %arg9[%run_scoped3A_180, %dma_start3A, %dma_start3A_184] : memref<2x64x128xf32, #tpu.memory_space<vmem>> -> memref<1x64x128xf32, #tpu.memory_space<vmem>>
        %dma_start3A_186 = tpu.memref_squeeze %dma_start3A_185 : memref<1x64x128xf32, #tpu.memory_space<vmem>> -> memref<64x128xf32, #tpu.memory_space<vmem>>
        %dma_start3A_187 = arith.constant 0 : i32
        %dma_start3A_188 = tpu.memref_slice %arg7[%run_scoped3A_181, %run_scoped3A_182, %dma_start3A_187] : memref<39x1x64xi32, #tpu.memory_space<vmem>> -> memref<1x1x64xi32, #tpu.memory_space<vmem>>
        %dma_start3A_189 = tpu.memref_squeeze %dma_start3A_188 : memref<1x1x64xi32, #tpu.memory_space<vmem>> -> memref<64xi32, #tpu.memory_space<vmem>>
        %dma_start3A_190 = arith.constant 0 : i32
        %dma_start3A_191 = arith.constant 0 : i32
        %dma_start3A_192 = tpu.memref_slice %arg10[%dma_start3A_190, %dma_start3A_191] : memref<10000x128xf32, #tpu.memory_space<vmem_shared>> -> memref<10000x128xf32, #tpu.memory_space<vmem_shared>>
        tpu.enqueue_indirect_dma source(%dma_start3A_186 : memref<64x128xf32, #tpu.memory_space<vmem>>) target(%dma_start3A_192 : memref<10000x128xf32, #tpu.memory_space<vmem_shared>>) offsets(%dma_start3A_189 : memref<64xi32, #tpu.memory_space<vmem>>) semaphore(%run_scoped3A_183 : memref<!tpu.dma_semaphore, #tpu.memory_space<semaphore_mem>>) {add = true}
        %dma_wait3A = arith.constant 0 : i32
        %dma_wait3A_193 = arith.constant 0 : i32
        %dma_wait3A_194 = tpu.memref_slice %arg9[%run_scoped3A_180, %dma_wait3A, %dma_wait3A_193] : memref<2x64x128xf32, #tpu.memory_space<vmem>> -> memref<1x64x128xf32, #tpu.memory_space<vmem>>
        %dma_wait3A_195 = tpu.memref_squeeze %dma_wait3A_194 : memref<1x64x128xf32, #tpu.memory_space<vmem>> -> memref<64x128xf32, #tpu.memory_space<vmem>>
        %dma_wait3A_196 = arith.constant 0 : i32
        %dma_wait3A_197 = tpu.memref_slice %arg7[%run_scoped3A_181, %run_scoped3A_182, %dma_wait3A_196] : memref<39x1x64xi32, #tpu.memory_space<vmem>> -> memref<1x1x64xi32, #tpu.memory_space<vmem>>
        %dma_wait3A_198 = tpu.memref_squeeze %dma_wait3A_197 : memref<1x1x64xi32, #tpu.memory_space<vmem>> -> memref<64xi32, #tpu.memory_space<vmem>>
        %dma_wait3A_199 = arith.constant 0 : i32
        %dma_wait3A_200 = arith.constant 0 : i32
        %dma_wait3A_201 = tpu.memref_slice %arg10[%dma_wait3A_199, %dma_wait3A_200] : memref<10000x128xf32, #tpu.memory_space<vmem_shared>> -> memref<10000x128xf32, #tpu.memory_space<vmem_shared>>
        tpu.wait_indirect_dma semaphore(%run_scoped3A_183 : memref<!tpu.dma_semaphore, #tpu.memory_space<semaphore_mem>>) src(%dma_wait3A_195 : memref<64x128xf32, #tpu.memory_space<vmem>>) dst(%dma_wait3A_201 : memref<10000x128xf32, #tpu.memory_space<vmem_shared>>)
        tpu.yield
      }) : () -> ()
    } else {
    }
    %barrier3A_92 = arith.constant 0 : index
    tpu.barrier barrier_id(%barrier3A_92)
    %add3A_93 = arith.constant 0 : i32
    %add3A_94 = arith.addi %arg1, %add3A_93 : i32
    %lt3A_95 = arith.constant 156 : i32
    %lt3A_96 = arith.cmpi slt, %add3A_94, %lt3A_95 : i32
    %convert_element_type3A_97 = arith.extui %lt3A_96 : i1 to i32
    %cond3A_98 = arith.constant 0 : i32
    %cond3A_99 = arith.cmpi ne, %convert_element_type3A_97, %cond3A_98 : i32
    scf.if %cond3A_99 {
      %mul3A_168 = arith.constant 64 : i32
      %mul3A_169 = arith.muli %add3A_94, %mul3A_168 : i32
      %mul3A_170 = arith.constant 64 : i32
      %mul3A_171 = arith.muli %add3A_94, %mul3A_170 : i32
      "tpu.region"() ({
        %run_scoped3A = tpu.sem_alloc : memref<!tpu.dma_semaphore, #tpu.memory_space<semaphore_mem>>
        %dma_start3A = arith.constant 0 : i32
        %dma_start3A_172 = tpu.memref_slice %arg5[%arg0, %mul3A_171, %dma_start3A] : memref<2x10000x128xf32, #tpu.memory_space<hbm>> -> memref<1x64x128xf32, #tpu.memory_space<hbm>>
        %dma_start3A_173 = tpu.memref_squeeze %dma_start3A_172 : memref<1x64x128xf32, #tpu.memory_space<hbm>> -> memref<64x128xf32, #tpu.memory_space<hbm>>
        %dma_start3A_174 = arith.constant 0 : i32
        %dma_start3A_175 = tpu.memref_slice %arg10[%mul3A_169, %dma_start3A_174] : memref<10000x128xf32, #tpu.memory_space<vmem_shared>> -> memref<64x128xf32, #tpu.memory_space<vmem_shared>>
        tpu.enqueue_dma source(%dma_start3A_175 : memref<64x128xf32, #tpu.memory_space<vmem_shared>>) target(%dma_start3A_173 : memref<64x128xf32, #tpu.memory_space<hbm>>) target_semaphore(%run_scoped3A : memref<!tpu.dma_semaphore, #tpu.memory_space<semaphore_mem>>)
        %dma_wait3A = arith.constant 0 : i32
        %dma_wait3A_176 = tpu.memref_slice %arg5[%arg0, %mul3A_171, %dma_wait3A] : memref<2x10000x128xf32, #tpu.memory_space<hbm>> -> memref<1x64x128xf32, #tpu.memory_space<hbm>>
        %dma_wait3A_177 = tpu.memref_squeeze %dma_wait3A_176 : memref<1x64x128xf32, #tpu.memory_space<hbm>> -> memref<64x128xf32, #tpu.memory_space<hbm>>
        %dma_wait3A_178 = arith.constant 0 : i32
        %dma_wait3A_179 = tpu.memref_slice %arg10[%mul3A_169, %dma_wait3A_178] : memref<10000x128xf32, #tpu.memory_space<vmem_shared>> -> memref<64x128xf32, #tpu.memory_space<vmem_shared>>
        tpu.wait_dma2 semaphore(%run_scoped3A : memref<!tpu.dma_semaphore, #tpu.memory_space<semaphore_mem>>) src(%dma_wait3A_179 : memref<64x128xf32, #tpu.memory_space<vmem_shared>>) dst(%dma_wait3A_177 : memref<64x128xf32, #tpu.memory_space<hbm>>)
        tpu.yield
      }) : () -> ()
    } else {
    }
    %add3A_100 = arith.constant 16 : i32
    %add3A_101 = arith.addi %arg1, %add3A_100 : i32
    %lt3A_102 = arith.constant 156 : i32
    %lt3A_103 = arith.cmpi slt, %add3A_101, %lt3A_102 : i32
    %convert_element_type3A_104 = arith.extui %lt3A_103 : i1 to i32
    %cond3A_105 = arith.constant 0 : i32
    %cond3A_106 = arith.cmpi ne, %convert_element_type3A_104, %cond3A_105 : i32
    scf.if %cond3A_106 {
      %mul3A_168 = arith.constant 64 : i32
      %mul3A_169 = arith.muli %add3A_101, %mul3A_168 : i32
      %mul3A_170 = arith.constant 64 : i32
      %mul3A_171 = arith.muli %add3A_101, %mul3A_170 : i32
      "tpu.region"() ({
        %run_scoped3A = tpu.sem_alloc : memref<!tpu.dma_semaphore, #tpu.memory_space<semaphore_mem>>
        %dma_start3A = arith.constant 0 : i32
        %dma_start3A_172 = tpu.memref_slice %arg5[%arg0, %mul3A_171, %dma_start3A] : memref<2x10000x128xf32, #tpu.memory_space<hbm>> -> memref<1x64x128xf32, #tpu.memory_space<hbm>>
        %dma_start3A_173 = tpu.memref_squeeze %dma_start3A_172 : memref<1x64x128xf32, #tpu.memory_space<hbm>> -> memref<64x128xf32, #tpu.memory_space<hbm>>
        %dma_start3A_174 = arith.constant 0 : i32
        %dma_start3A_175 = tpu.memref_slice %arg10[%mul3A_169, %dma_start3A_174] : memref<10000x128xf32, #tpu.memory_space<vmem_shared>> -> memref<64x128xf32, #tpu.memory_space<vmem_shared>>
        tpu.enqueue_dma source(%dma_start3A_175 : memref<64x128xf32, #tpu.memory_space<vmem_shared>>) target(%dma_start3A_173 : memref<64x128xf32, #tpu.memory_space<hbm>>) target_semaphore(%run_scoped3A : memref<!tpu.dma_semaphore, #tpu.memory_space<semaphore_mem>>)
        %dma_wait3A = arith.constant 0 : i32
        %dma_wait3A_176 = tpu.memref_slice %arg5[%arg0, %mul3A_171, %dma_wait3A] : memref<2x10000x128xf32, #tpu.memory_space<hbm>> -> memref<1x64x128xf32, #tpu.memory_space<hbm>>
        %dma_wait3A_177 = tpu.memref_squeeze %dma_wait3A_176 : memref<1x64x128xf32, #tpu.memory_space<hbm>> -> memref<64x128xf32, #tpu.memory_space<hbm>>
        %dma_wait3A_178 = arith.constant 0 : i32
        %dma_wait3A_179 = tpu.memref_slice %arg10[%mul3A_169, %dma_wait3A_178] : memref<10000x128xf32, #tpu.memory_space<vmem_shared>> -> memref<64x128xf32, #tpu.memory_space<vmem_shared>>
        tpu.wait_dma2 semaphore(%run_scoped3A : memref<!tpu.dma_semaphore, #tpu.memory_space<semaphore_mem>>) src(%dma_wait3A_179 : memref<64x128xf32, #tpu.memory_space<vmem_shared>>) dst(%dma_wait3A_177 : memref<64x128xf32, #tpu.memory_space<hbm>>)
        tpu.yield
      }) : () -> ()
    } else {
    }
    %add3A_107 = arith.constant 32 : i32
    %add3A_108 = arith.addi %arg1, %add3A_107 : i32
    %lt3A_109 = arith.constant 156 : i32
    %lt3A_110 = arith.cmpi slt, %add3A_108, %lt3A_109 : i32
    %convert_element_type3A_111 = arith.extui %lt3A_110 : i1 to i32
    %cond3A_112 = arith.constant 0 : i32
    %cond3A_113 = arith.cmpi ne, %convert_element_type3A_111, %cond3A_112 : i32
    scf.if %cond3A_113 {
      %mul3A_168 = arith.constant 64 : i32
      %mul3A_169 = arith.muli %add3A_108, %mul3A_168 : i32
      %mul3A_170 = arith.constant 64 : i32
      %mul3A_171 = arith.muli %add3A_108, %mul3A_170 : i32
      "tpu.region"() ({
        %run_scoped3A = tpu.sem_alloc : memref<!tpu.dma_semaphore, #tpu.memory_space<semaphore_mem>>
        %dma_start3A = arith.constant 0 : i32
        %dma_start3A_172 = tpu.memref_slice %arg5[%arg0, %mul3A_171, %dma_start3A] : memref<2x10000x128xf32, #tpu.memory_space<hbm>> -> memref<1x64x128xf32, #tpu.memory_space<hbm>>
        %dma_start3A_173 = tpu.memref_squeeze %dma_start3A_172 : memref<1x64x128xf32, #tpu.memory_space<hbm>> -> memref<64x128xf32, #tpu.memory_space<hbm>>
        %dma_start3A_174 = arith.constant 0 : i32
        %dma_start3A_175 = tpu.memref_slice %arg10[%mul3A_169, %dma_start3A_174] : memref<10000x128xf32, #tpu.memory_space<vmem_shared>> -> memref<64x128xf32, #tpu.memory_space<vmem_shared>>
        tpu.enqueue_dma source(%dma_start3A_175 : memref<64x128xf32, #tpu.memory_space<vmem_shared>>) target(%dma_start3A_173 : memref<64x128xf32, #tpu.memory_space<hbm>>) target_semaphore(%run_scoped3A : memref<!tpu.dma_semaphore, #tpu.memory_space<semaphore_mem>>)
        %dma_wait3A = arith.constant 0 : i32
        %dma_wait3A_176 = tpu.memref_slice %arg5[%arg0, %mul3A_171, %dma_wait3A] : memref<2x10000x128xf32, #tpu.memory_space<hbm>> -> memref<1x64x128xf32, #tpu.memory_space<hbm>>
        %dma_wait3A_177 = tpu.memref_squeeze %dma_wait3A_176 : memref<1x64x128xf32, #tpu.memory_space<hbm>> -> memref<64x128xf32, #tpu.memory_space<hbm>>
        %dma_wait3A_178 = arith.constant 0 : i32
        %dma_wait3A_179 = tpu.memref_slice %arg10[%mul3A_169, %dma_wait3A_178] : memref<10000x128xf32, #tpu.memory_space<vmem_shared>> -> memref<64x128xf32, #tpu.memory_space<vmem_shared>>
        tpu.wait_dma2 semaphore(%run_scoped3A : memref<!tpu.dma_semaphore, #tpu.memory_space<semaphore_mem>>) src(%dma_wait3A_179 : memref<64x128xf32, #tpu.memory_space<vmem_shared>>) dst(%dma_wait3A_177 : memref<64x128xf32, #tpu.memory_space<hbm>>)
        tpu.yield
      }) : () -> ()
    } else {
    }
    %add3A_114 = arith.constant 48 : i32
    %add3A_115 = arith.addi %arg1, %add3A_114 : i32
    %lt3A_116 = arith.constant 156 : i32
    %lt3A_117 = arith.cmpi slt, %add3A_115, %lt3A_116 : i32
    %convert_element_type3A_118 = arith.extui %lt3A_117 : i1 to i32
    %cond3A_119 = arith.constant 0 : i32
    %cond3A_120 = arith.cmpi ne, %convert_element_type3A_118, %cond3A_119 : i32
    scf.if %cond3A_120 {
      %mul3A_168 = arith.constant 64 : i32
      %mul3A_169 = arith.muli %add3A_115, %mul3A_168 : i32
      %mul3A_170 = arith.constant 64 : i32
      %mul3A_171 = arith.muli %add3A_115, %mul3A_170 : i32
      "tpu.region"() ({
        %run_scoped3A = tpu.sem_alloc : memref<!tpu.dma_semaphore, #tpu.memory_space<semaphore_mem>>
        %dma_start3A = arith.constant 0 : i32
        %dma_start3A_172 = tpu.memref_slice %arg5[%arg0, %mul3A_171, %dma_start3A] : memref<2x10000x128xf32, #tpu.memory_space<hbm>> -> memref<1x64x128xf32, #tpu.memory_space<hbm>>
        %dma_start3A_173 = tpu.memref_squeeze %dma_start3A_172 : memref<1x64x128xf32, #tpu.memory_space<hbm>> -> memref<64x128xf32, #tpu.memory_space<hbm>>
        %dma_start3A_174 = arith.constant 0 : i32
        %dma_start3A_175 = tpu.memref_slice %arg10[%mul3A_169, %dma_start3A_174] : memref<10000x128xf32, #tpu.memory_space<vmem_shared>> -> memref<64x128xf32, #tpu.memory_space<vmem_shared>>
        tpu.enqueue_dma source(%dma_start3A_175 : memref<64x128xf32, #tpu.memory_space<vmem_shared>>) target(%dma_start3A_173 : memref<64x128xf32, #tpu.memory_space<hbm>>) target_semaphore(%run_scoped3A : memref<!tpu.dma_semaphore, #tpu.memory_space<semaphore_mem>>)
        %dma_wait3A = arith.constant 0 : i32
        %dma_wait3A_176 = tpu.memref_slice %arg5[%arg0, %mul3A_171, %dma_wait3A] : memref<2x10000x128xf32, #tpu.memory_space<hbm>> -> memref<1x64x128xf32, #tpu.memory_space<hbm>>
        %dma_wait3A_177 = tpu.memref_squeeze %dma_wait3A_176 : memref<1x64x128xf32, #tpu.memory_space<hbm>> -> memref<64x128xf32, #tpu.memory_space<hbm>>
        %dma_wait3A_178 = arith.constant 0 : i32
        %dma_wait3A_179 = tpu.memref_slice %arg10[%mul3A_169, %dma_wait3A_178] : memref<10000x128xf32, #tpu.memory_space<vmem_shared>> -> memref<64x128xf32, #tpu.memory_space<vmem_shared>>
        tpu.wait_dma2 semaphore(%run_scoped3A : memref<!tpu.dma_semaphore, #tpu.memory_space<semaphore_mem>>) src(%dma_wait3A_179 : memref<64x128xf32, #tpu.memory_space<vmem_shared>>) dst(%dma_wait3A_177 : memref<64x128xf32, #tpu.memory_space<hbm>>)
        tpu.yield
      }) : () -> ()
    } else {
    }
    %add3A_121 = arith.constant 64 : i32
    %add3A_122 = arith.addi %arg1, %add3A_121 : i32
    %lt3A_123 = arith.constant 156 : i32
    %lt3A_124 = arith.cmpi slt, %add3A_122, %lt3A_123 : i32
    %convert_element_type3A_125 = arith.extui %lt3A_124 : i1 to i32
    %cond3A_126 = arith.constant 0 : i32
    %cond3A_127 = arith.cmpi ne, %convert_element_type3A_125, %cond3A_126 : i32
    scf.if %cond3A_127 {
      %mul3A_168 = arith.constant 64 : i32
      %mul3A_169 = arith.muli %add3A_122, %mul3A_168 : i32
      %mul3A_170 = arith.constant 64 : i32
      %mul3A_171 = arith.muli %add3A_122, %mul3A_170 : i32
      "tpu.region"() ({
        %run_scoped3A = tpu.sem_alloc : memref<!tpu.dma_semaphore, #tpu.memory_space<semaphore_mem>>
        %dma_start3A = arith.constant 0 : i32
        %dma_start3A_172 = tpu.memref_slice %arg5[%arg0, %mul3A_171, %dma_start3A] : memref<2x10000x128xf32, #tpu.memory_space<hbm>> -> memref<1x64x128xf32, #tpu.memory_space<hbm>>
        %dma_start3A_173 = tpu.memref_squeeze %dma_start3A_172 : memref<1x64x128xf32, #tpu.memory_space<hbm>> -> memref<64x128xf32, #tpu.memory_space<hbm>>
        %dma_start3A_174 = arith.constant 0 : i32
        %dma_start3A_175 = tpu.memref_slice %arg10[%mul3A_169, %dma_start3A_174] : memref<10000x128xf32, #tpu.memory_space<vmem_shared>> -> memref<64x128xf32, #tpu.memory_space<vmem_shared>>
        tpu.enqueue_dma source(%dma_start3A_175 : memref<64x128xf32, #tpu.memory_space<vmem_shared>>) target(%dma_start3A_173 : memref<64x128xf32, #tpu.memory_space<hbm>>) target_semaphore(%run_scoped3A : memref<!tpu.dma_semaphore, #tpu.memory_space<semaphore_mem>>)
        %dma_wait3A = arith.constant 0 : i32
        %dma_wait3A_176 = tpu.memref_slice %arg5[%arg0, %mul3A_171, %dma_wait3A] : memref<2x10000x128xf32, #tpu.memory_space<hbm>> -> memref<1x64x128xf32, #tpu.memory_space<hbm>>
        %dma_wait3A_177 = tpu.memref_squeeze %dma_wait3A_176 : memref<1x64x128xf32, #tpu.memory_space<hbm>> -> memref<64x128xf32, #tpu.memory_space<hbm>>
        %dma_wait3A_178 = arith.constant 0 : i32
        %dma_wait3A_179 = tpu.memref_slice %arg10[%mul3A_169, %dma_wait3A_178] : memref<10000x128xf32, #tpu.memory_space<vmem_shared>> -> memref<64x128xf32, #tpu.memory_space<vmem_shared>>
        tpu.wait_dma2 semaphore(%run_scoped3A : memref<!tpu.dma_semaphore, #tpu.memory_space<semaphore_mem>>) src(%dma_wait3A_179 : memref<64x128xf32, #tpu.memory_space<vmem_shared>>) dst(%dma_wait3A_177 : memref<64x128xf32, #tpu.memory_space<hbm>>)
        tpu.yield
      }) : () -> ()
    } else {
    }
    %add3A_128 = arith.constant 80 : i32
    %add3A_129 = arith.addi %arg1, %add3A_128 : i32
    %lt3A_130 = arith.constant 156 : i32
    %lt3A_131 = arith.cmpi slt, %add3A_129, %lt3A_130 : i32
    %convert_element_type3A_132 = arith.extui %lt3A_131 : i1 to i32
    %cond3A_133 = arith.constant 0 : i32
    %cond3A_134 = arith.cmpi ne, %convert_element_type3A_132, %cond3A_133 : i32
    scf.if %cond3A_134 {
      %mul3A_168 = arith.constant 64 : i32
      %mul3A_169 = arith.muli %add3A_129, %mul3A_168 : i32
      %mul3A_170 = arith.constant 64 : i32
      %mul3A_171 = arith.muli %add3A_129, %mul3A_170 : i32
      "tpu.region"() ({
        %run_scoped3A = tpu.sem_alloc : memref<!tpu.dma_semaphore, #tpu.memory_space<semaphore_mem>>
        %dma_start3A = arith.constant 0 : i32
        %dma_start3A_172 = tpu.memref_slice %arg5[%arg0, %mul3A_171, %dma_start3A] : memref<2x10000x128xf32, #tpu.memory_space<hbm>> -> memref<1x64x128xf32, #tpu.memory_space<hbm>>
        %dma_start3A_173 = tpu.memref_squeeze %dma_start3A_172 : memref<1x64x128xf32, #tpu.memory_space<hbm>> -> memref<64x128xf32, #tpu.memory_space<hbm>>
        %dma_start3A_174 = arith.constant 0 : i32
        %dma_start3A_175 = tpu.memref_slice %arg10[%mul3A_169, %dma_start3A_174] : memref<10000x128xf32, #tpu.memory_space<vmem_shared>> -> memref<64x128xf32, #tpu.memory_space<vmem_shared>>
        tpu.enqueue_dma source(%dma_start3A_175 : memref<64x128xf32, #tpu.memory_space<vmem_shared>>) target(%dma_start3A_173 : memref<64x128xf32, #tpu.memory_space<hbm>>) target_semaphore(%run_scoped3A : memref<!tpu.dma_semaphore, #tpu.memory_space<semaphore_mem>>)
        %dma_wait3A = arith.constant 0 : i32
        %dma_wait3A_176 = tpu.memref_slice %arg5[%arg0, %mul3A_171, %dma_wait3A] : memref<2x10000x128xf32, #tpu.memory_space<hbm>> -> memref<1x64x128xf32, #tpu.memory_space<hbm>>
        %dma_wait3A_177 = tpu.memref_squeeze %dma_wait3A_176 : memref<1x64x128xf32, #tpu.memory_space<hbm>> -> memref<64x128xf32, #tpu.memory_space<hbm>>
        %dma_wait3A_178 = arith.constant 0 : i32
        %dma_wait3A_179 = tpu.memref_slice %arg10[%mul3A_169, %dma_wait3A_178] : memref<10000x128xf32, #tpu.memory_space<vmem_shared>> -> memref<64x128xf32, #tpu.memory_space<vmem_shared>>
        tpu.wait_dma2 semaphore(%run_scoped3A : memref<!tpu.dma_semaphore, #tpu.memory_space<semaphore_mem>>) src(%dma_wait3A_179 : memref<64x128xf32, #tpu.memory_space<vmem_shared>>) dst(%dma_wait3A_177 : memref<64x128xf32, #tpu.memory_space<hbm>>)
        tpu.yield
      }) : () -> ()
    } else {
    }
    %add3A_135 = arith.constant 96 : i32
    %add3A_136 = arith.addi %arg1, %add3A_135 : i32
    %lt3A_137 = arith.constant 156 : i32
    %lt3A_138 = arith.cmpi slt, %add3A_136, %lt3A_137 : i32
    %convert_element_type3A_139 = arith.extui %lt3A_138 : i1 to i32
    %cond3A_140 = arith.constant 0 : i32
    %cond3A_141 = arith.cmpi ne, %convert_element_type3A_139, %cond3A_140 : i32
    scf.if %cond3A_141 {
      %mul3A_168 = arith.constant 64 : i32
      %mul3A_169 = arith.muli %add3A_136, %mul3A_168 : i32
      %mul3A_170 = arith.constant 64 : i32
      %mul3A_171 = arith.muli %add3A_136, %mul3A_170 : i32
      "tpu.region"() ({
        %run_scoped3A = tpu.sem_alloc : memref<!tpu.dma_semaphore, #tpu.memory_space<semaphore_mem>>
        %dma_start3A = arith.constant 0 : i32
        %dma_start3A_172 = tpu.memref_slice %arg5[%arg0, %mul3A_171, %dma_start3A] : memref<2x10000x128xf32, #tpu.memory_space<hbm>> -> memref<1x64x128xf32, #tpu.memory_space<hbm>>
        %dma_start3A_173 = tpu.memref_squeeze %dma_start3A_172 : memref<1x64x128xf32, #tpu.memory_space<hbm>> -> memref<64x128xf32, #tpu.memory_space<hbm>>
        %dma_start3A_174 = arith.constant 0 : i32
        %dma_start3A_175 = tpu.memref_slice %arg10[%mul3A_169, %dma_start3A_174] : memref<10000x128xf32, #tpu.memory_space<vmem_shared>> -> memref<64x128xf32, #tpu.memory_space<vmem_shared>>
        tpu.enqueue_dma source(%dma_start3A_175 : memref<64x128xf32, #tpu.memory_space<vmem_shared>>) target(%dma_start3A_173 : memref<64x128xf32, #tpu.memory_space<hbm>>) target_semaphore(%run_scoped3A : memref<!tpu.dma_semaphore, #tpu.memory_space<semaphore_mem>>)
        %dma_wait3A = arith.constant 0 : i32
        %dma_wait3A_176 = tpu.memref_slice %arg5[%arg0, %mul3A_171, %dma_wait3A] : memref<2x10000x128xf32, #tpu.memory_space<hbm>> -> memref<1x64x128xf32, #tpu.memory_space<hbm>>
        %dma_wait3A_177 = tpu.memref_squeeze %dma_wait3A_176 : memref<1x64x128xf32, #tpu.memory_space<hbm>> -> memref<64x128xf32, #tpu.memory_space<hbm>>
        %dma_wait3A_178 = arith.constant 0 : i32
        %dma_wait3A_179 = tpu.memref_slice %arg10[%mul3A_169, %dma_wait3A_178] : memref<10000x128xf32, #tpu.memory_space<vmem_shared>> -> memref<64x128xf32, #tpu.memory_space<vmem_shared>>
        tpu.wait_dma2 semaphore(%run_scoped3A : memref<!tpu.dma_semaphore, #tpu.memory_space<semaphore_mem>>) src(%dma_wait3A_179 : memref<64x128xf32, #tpu.memory_space<vmem_shared>>) dst(%dma_wait3A_177 : memref<64x128xf32, #tpu.memory_space<hbm>>)
        tpu.yield
      }) : () -> ()
    } else {
    }
    %add3A_142 = arith.constant 112 : i32
    %add3A_143 = arith.addi %arg1, %add3A_142 : i32
    %lt3A_144 = arith.constant 156 : i32
    %lt3A_145 = arith.cmpi slt, %add3A_143, %lt3A_144 : i32
    %convert_element_type3A_146 = arith.extui %lt3A_145 : i1 to i32
    %cond3A_147 = arith.constant 0 : i32
    %cond3A_148 = arith.cmpi ne, %convert_element_type3A_146, %cond3A_147 : i32
    scf.if %cond3A_148 {
      %mul3A_168 = arith.constant 64 : i32
      %mul3A_169 = arith.muli %add3A_143, %mul3A_168 : i32
      %mul3A_170 = arith.constant 64 : i32
      %mul3A_171 = arith.muli %add3A_143, %mul3A_170 : i32
      "tpu.region"() ({
        %run_scoped3A = tpu.sem_alloc : memref<!tpu.dma_semaphore, #tpu.memory_space<semaphore_mem>>
        %dma_start3A = arith.constant 0 : i32
        %dma_start3A_172 = tpu.memref_slice %arg5[%arg0, %mul3A_171, %dma_start3A] : memref<2x10000x128xf32, #tpu.memory_space<hbm>> -> memref<1x64x128xf32, #tpu.memory_space<hbm>>
        %dma_start3A_173 = tpu.memref_squeeze %dma_start3A_172 : memref<1x64x128xf32, #tpu.memory_space<hbm>> -> memref<64x128xf32, #tpu.memory_space<hbm>>
        %dma_start3A_174 = arith.constant 0 : i32
        %dma_start3A_175 = tpu.memref_slice %arg10[%mul3A_169, %dma_start3A_174] : memref<10000x128xf32, #tpu.memory_space<vmem_shared>> -> memref<64x128xf32, #tpu.memory_space<vmem_shared>>
        tpu.enqueue_dma source(%dma_start3A_175 : memref<64x128xf32, #tpu.memory_space<vmem_shared>>) target(%dma_start3A_173 : memref<64x128xf32, #tpu.memory_space<hbm>>) target_semaphore(%run_scoped3A : memref<!tpu.dma_semaphore, #tpu.memory_space<semaphore_mem>>)
        %dma_wait3A = arith.constant 0 : i32
        %dma_wait3A_176 = tpu.memref_slice %arg5[%arg0, %mul3A_171, %dma_wait3A] : memref<2x10000x128xf32, #tpu.memory_space<hbm>> -> memref<1x64x128xf32, #tpu.memory_space<hbm>>
        %dma_wait3A_177 = tpu.memref_squeeze %dma_wait3A_176 : memref<1x64x128xf32, #tpu.memory_space<hbm>> -> memref<64x128xf32, #tpu.memory_space<hbm>>
        %dma_wait3A_178 = arith.constant 0 : i32
        %dma_wait3A_179 = tpu.memref_slice %arg10[%mul3A_169, %dma_wait3A_178] : memref<10000x128xf32, #tpu.memory_space<vmem_shared>> -> memref<64x128xf32, #tpu.memory_space<vmem_shared>>
        tpu.wait_dma2 semaphore(%run_scoped3A : memref<!tpu.dma_semaphore, #tpu.memory_space<semaphore_mem>>) src(%dma_wait3A_179 : memref<64x128xf32, #tpu.memory_space<vmem_shared>>) dst(%dma_wait3A_177 : memref<64x128xf32, #tpu.memory_space<hbm>>)
        tpu.yield
      }) : () -> ()
    } else {
    }
    %add3A_149 = arith.constant 128 : i32
    %add3A_150 = arith.addi %arg1, %add3A_149 : i32
    %lt3A_151 = arith.constant 156 : i32
    %lt3A_152 = arith.cmpi slt, %add3A_150, %lt3A_151 : i32
    %convert_element_type3A_153 = arith.extui %lt3A_152 : i1 to i32
    %cond3A_154 = arith.constant 0 : i32
    %cond3A_155 = arith.cmpi ne, %convert_element_type3A_153, %cond3A_154 : i32
    scf.if %cond3A_155 {
      %mul3A_168 = arith.constant 64 : i32
      %mul3A_169 = arith.muli %add3A_150, %mul3A_168 : i32
      %mul3A_170 = arith.constant 64 : i32
      %mul3A_171 = arith.muli %add3A_150, %mul3A_170 : i32
      "tpu.region"() ({
        %run_scoped3A = tpu.sem_alloc : memref<!tpu.dma_semaphore, #tpu.memory_space<semaphore_mem>>
        %dma_start3A = arith.constant 0 : i32
        %dma_start3A_172 = tpu.memref_slice %arg5[%arg0, %mul3A_171, %dma_start3A] : memref<2x10000x128xf32, #tpu.memory_space<hbm>> -> memref<1x64x128xf32, #tpu.memory_space<hbm>>
        %dma_start3A_173 = tpu.memref_squeeze %dma_start3A_172 : memref<1x64x128xf32, #tpu.memory_space<hbm>> -> memref<64x128xf32, #tpu.memory_space<hbm>>
        %dma_start3A_174 = arith.constant 0 : i32
        %dma_start3A_175 = tpu.memref_slice %arg10[%mul3A_169, %dma_start3A_174] : memref<10000x128xf32, #tpu.memory_space<vmem_shared>> -> memref<64x128xf32, #tpu.memory_space<vmem_shared>>
        tpu.enqueue_dma source(%dma_start3A_175 : memref<64x128xf32, #tpu.memory_space<vmem_shared>>) target(%dma_start3A_173 : memref<64x128xf32, #tpu.memory_space<hbm>>) target_semaphore(%run_scoped3A : memref<!tpu.dma_semaphore, #tpu.memory_space<semaphore_mem>>)
        %dma_wait3A = arith.constant 0 : i32
        %dma_wait3A_176 = tpu.memref_slice %arg5[%arg0, %mul3A_171, %dma_wait3A] : memref<2x10000x128xf32, #tpu.memory_space<hbm>> -> memref<1x64x128xf32, #tpu.memory_space<hbm>>
        %dma_wait3A_177 = tpu.memref_squeeze %dma_wait3A_176 : memref<1x64x128xf32, #tpu.memory_space<hbm>> -> memref<64x128xf32, #tpu.memory_space<hbm>>
        %dma_wait3A_178 = arith.constant 0 : i32
        %dma_wait3A_179 = tpu.memref_slice %arg10[%mul3A_169, %dma_wait3A_178] : memref<10000x128xf32, #tpu.memory_space<vmem_shared>> -> memref<64x128xf32, #tpu.memory_space<vmem_shared>>
        tpu.wait_dma2 semaphore(%run_scoped3A : memref<!tpu.dma_semaphore, #tpu.memory_space<semaphore_mem>>) src(%dma_wait3A_179 : memref<64x128xf32, #tpu.memory_space<vmem_shared>>) dst(%dma_wait3A_177 : memref<64x128xf32, #tpu.memory_space<hbm>>)
        tpu.yield
      }) : () -> ()
    } else {
    }
    %add3A_156 = arith.constant 144 : i32
    %add3A_157 = arith.addi %arg1, %add3A_156 : i32
    %lt3A_158 = arith.constant 156 : i32
    %lt3A_159 = arith.cmpi slt, %add3A_157, %lt3A_158 : i32
    %convert_element_type3A_160 = arith.extui %lt3A_159 : i1 to i32
    %cond3A_161 = arith.constant 0 : i32
    %cond3A_162 = arith.cmpi ne, %convert_element_type3A_160, %cond3A_161 : i32
    scf.if %cond3A_162 {
      %mul3A_168 = arith.constant 64 : i32
      %mul3A_169 = arith.muli %add3A_157, %mul3A_168 : i32
      %mul3A_170 = arith.constant 64 : i32
      %mul3A_171 = arith.muli %add3A_157, %mul3A_170 : i32
      "tpu.region"() ({
        %run_scoped3A = tpu.sem_alloc : memref<!tpu.dma_semaphore, #tpu.memory_space<semaphore_mem>>
        %dma_start3A = arith.constant 0 : i32
        %dma_start3A_172 = tpu.memref_slice %arg5[%arg0, %mul3A_171, %dma_start3A] : memref<2x10000x128xf32, #tpu.memory_space<hbm>> -> memref<1x64x128xf32, #tpu.memory_space<hbm>>
        %dma_start3A_173 = tpu.memref_squeeze %dma_start3A_172 : memref<1x64x128xf32, #tpu.memory_space<hbm>> -> memref<64x128xf32, #tpu.memory_space<hbm>>
        %dma_start3A_174 = arith.constant 0 : i32
        %dma_start3A_175 = tpu.memref_slice %arg10[%mul3A_169, %dma_start3A_174] : memref<10000x128xf32, #tpu.memory_space<vmem_shared>> -> memref<64x128xf32, #tpu.memory_space<vmem_shared>>
        tpu.enqueue_dma source(%dma_start3A_175 : memref<64x128xf32, #tpu.memory_space<vmem_shared>>) target(%dma_start3A_173 : memref<64x128xf32, #tpu.memory_space<hbm>>) target_semaphore(%run_scoped3A : memref<!tpu.dma_semaphore, #tpu.memory_space<semaphore_mem>>)
        %dma_wait3A = arith.constant 0 : i32
        %dma_wait3A_176 = tpu.memref_slice %arg5[%arg0, %mul3A_171, %dma_wait3A] : memref<2x10000x128xf32, #tpu.memory_space<hbm>> -> memref<1x64x128xf32, #tpu.memory_space<hbm>>
        %dma_wait3A_177 = tpu.memref_squeeze %dma_wait3A_176 : memref<1x64x128xf32, #tpu.memory_space<hbm>> -> memref<64x128xf32, #tpu.memory_space<hbm>>
        %dma_wait3A_178 = arith.constant 0 : i32
        %dma_wait3A_179 = tpu.memref_slice %arg10[%mul3A_169, %dma_wait3A_178] : memref<10000x128xf32, #tpu.memory_space<vmem_shared>> -> memref<64x128xf32, #tpu.memory_space<vmem_shared>>
        tpu.wait_dma2 semaphore(%run_scoped3A : memref<!tpu.dma_semaphore, #tpu.memory_space<semaphore_mem>>) src(%dma_wait3A_179 : memref<64x128xf32, #tpu.memory_space<vmem_shared>>) dst(%dma_wait3A_177 : memref<64x128xf32, #tpu.memory_space<hbm>>)
        tpu.yield
      }) : () -> ()
    } else {
    }
    %eq3A_163 = arith.constant 12 : i32
    %eq3A_164 = arith.cmpi eq, %arg1, %eq3A_163 : i32
    %convert_element_type3A_165 = arith.extui %eq3A_164 : i1 to i32
    %cond3A_166 = arith.constant 0 : i32
    %cond3A_167 = arith.cmpi ne, %convert_element_type3A_165, %cond3A_166 : i32
    scf.if %cond3A_167 {
      "tpu.region"() ({
        %run_scoped3A = tpu.sem_alloc : memref<!tpu.dma_semaphore, #tpu.memory_space<semaphore_mem>>
        %dma_start3A = arith.constant 9984 : i32
        %dma_start3A_168 = arith.constant 0 : i32
        %dma_start3A_169 = tpu.memref_slice %arg5[%arg0, %dma_start3A, %dma_start3A_168] : memref<2x10000x128xf32, #tpu.memory_space<hbm>> -> memref<1x16x128xf32, #tpu.memory_space<hbm>>
        %dma_start3A_170 = tpu.memref_squeeze %dma_start3A_169 : memref<1x16x128xf32, #tpu.memory_space<hbm>> -> memref<16x128xf32, #tpu.memory_space<hbm>>
        %dma_start3A_171 = arith.constant 9984 : i32
        %dma_start3A_172 = arith.constant 0 : i32
        %dma_start3A_173 = tpu.memref_slice %arg10[%dma_start3A_171, %dma_start3A_172] : memref<10000x128xf32, #tpu.memory_space<vmem_shared>> -> memref<16x128xf32, #tpu.memory_space<vmem_shared>>
        tpu.enqueue_dma source(%dma_start3A_173 : memref<16x128xf32, #tpu.memory_space<vmem_shared>>) target(%dma_start3A_170 : memref<16x128xf32, #tpu.memory_space<hbm>>) target_semaphore(%run_scoped3A : memref<!tpu.dma_semaphore, #tpu.memory_space<semaphore_mem>>)
        %dma_wait3A = arith.constant 9984 : i32
        %dma_wait3A_174 = arith.constant 0 : i32
        %dma_wait3A_175 = tpu.memref_slice %arg5[%arg0, %dma_wait3A, %dma_wait3A_174] : memref<2x10000x128xf32, #tpu.memory_space<hbm>> -> memref<1x16x128xf32, #tpu.memory_space<hbm>>
        %dma_wait3A_176 = tpu.memref_squeeze %dma_wait3A_175 : memref<1x16x128xf32, #tpu.memory_space<hbm>> -> memref<16x128xf32, #tpu.memory_space<hbm>>
        %dma_wait3A_177 = arith.constant 9984 : i32
        %dma_wait3A_178 = arith.constant 0 : i32
        %dma_wait3A_179 = tpu.memref_slice %arg10[%dma_wait3A_177, %dma_wait3A_178] : memref<10000x128xf32, #tpu.memory_space<vmem_shared>> -> memref<16x128xf32, #tpu.memory_space<vmem_shared>>
        tpu.wait_dma2 semaphore(%run_scoped3A : memref<!tpu.dma_semaphore, #tpu.memory_space<semaphore_mem>>) src(%dma_wait3A_179 : memref<16x128xf32, #tpu.memory_space<vmem_shared>>) dst(%dma_wait3A_176 : memref<16x128xf32, #tpu.memory_space<hbm>>)
        tpu.yield
      }) : () -> ()
    } else {
    }
    return
  }
}

module attributes {stable_mosaic.version = 14 : i64} {
  func.func @body(%arg0: memref<1x1xf32, #tpu.memory_space<smem>>, %arg1: memref<10000x128xf32, #tpu.memory_space<vmem>>, %arg2: memref<2x10000x128xf32, #tpu.memory_space<vmem>>, %arg3: memref<128x128xf32, #tpu.memory_space<vmem>>, %arg4: memref<1x128xf32, #tpu.memory_space<vmem>>, %arg5: memref<1x128xf32, #tpu.memory_space<vmem>>, %arg6: memref<1x128xf32, #tpu.memory_space<vmem>>, %arg7: memref<128x128xf32, #tpu.memory_space<vmem>>, %arg8: memref<1x128xf32, #tpu.memory_space<vmem>>, %arg9: memref<1x128xf32, #tpu.memory_space<vmem>>, %arg10: memref<1x128xf32, #tpu.memory_space<vmem>>, %arg11: memref<10000x128xf32, #tpu.memory_space<vmem>>) attributes {dimension_semantics = [], scalar_prefetch = 0 : i64, scratch_operands = 0 : i64, tpu.core_type = #tpu.core_type<tc>} {
    %get3A = arith.constant 0 : index
    %get3A_0 = arith.constant 0 : index
    %get3A_1 = memref.load %arg0[%get3A, %get3A_0] : memref<1x1xf32, #tpu.memory_space<smem>>
    %add3A = arith.constant 1.000000e+00 : f32
    %add3A_2 = arith.addf %add3A, %get3A_1 : f32
    %get3A_3 = arith.constant 0 : index
    %get3A_4 = arith.constant 0 : index
    %get3A_5 = vector.load %arg1[%get3A_3, %get3A_4] : memref<10000x128xf32, #tpu.memory_space<vmem>>, vector<10000x128xf32>
    %mul3A = vector.broadcast %add3A_2 : f32 to vector<10000x128xf32>
    %mul3A_6 = arith.mulf %mul3A, %get3A_5 : vector<10000x128xf32>
    %get3A_7 = arith.constant 0 : index
    %get3A_8 = arith.constant 0 : index
    %get3A_9 = arith.constant 0 : index
    %get3A_10 = vector.load %arg2[%get3A_7, %get3A_8, %get3A_9] : memref<2x10000x128xf32, #tpu.memory_space<vmem>>, vector<1x10000x128xf32>
    %get3A_11 = vector.shape_cast %get3A_10 : vector<1x10000x128xf32> to vector<10000x128xf32>
    %add3A_12 = arith.addf %mul3A_6, %get3A_11 : vector<10000x128xf32>
    %get3A_13 = arith.constant 1 : index
    %get3A_14 = arith.constant 0 : index
    %get3A_15 = arith.constant 0 : index
    %get3A_16 = vector.load %arg2[%get3A_13, %get3A_14, %get3A_15] : memref<2x10000x128xf32, #tpu.memory_space<vmem>>, vector<1x10000x128xf32>
    %get3A_17 = vector.shape_cast %get3A_16 : vector<1x10000x128xf32> to vector<10000x128xf32>
    %add3A_18 = arith.addf %add3A_12, %get3A_17 : vector<10000x128xf32>
    %get3A_19 = arith.constant 0 : index
    %get3A_20 = arith.constant 0 : index
    %get3A_21 = vector.load %arg3[%get3A_19, %get3A_20] : memref<128x128xf32, #tpu.memory_space<vmem>>, vector<128x128xf32>
    %dot_general3A = arith.constant dense<0.000000e+00> : vector<10000x128xf32>
    %dot_general3A_22 = tpu.matmul %add3A_18, %get3A_21, %dot_general3A {dimension_numbers = #tpu.dot_dimension_numbers<[1], [1], [0], [0], [0, 0, 1, 0], [], []>, transpose_lhs_hint = false} : vector<10000x128xf32>, vector<128x128xf32>, vector<10000x128xf32> -> vector<10000x128xf32>
    %get3A_23 = arith.constant 0 : index
    %get3A_24 = arith.constant 0 : index
    %get3A_25 = vector.load %arg4[%get3A_23, %get3A_24] : memref<1x128xf32, #tpu.memory_space<vmem>>, vector<1x128xf32>
    %add3A_26 = vector.broadcast %get3A_25 : vector<1x128xf32> to vector<10000x128xf32>
    %add3A_27 = arith.addf %dot_general3A_22, %add3A_26 : vector<10000x128xf32>
    %reduce_sum3A = arith.constant dense<0.000000e+00> : vector<128xf32>
    %reduce_sum3A_28 = vector.multi_reduction <add>, %add3A_27, %reduce_sum3A [0] : vector<10000x128xf32> to vector<128xf32>
    %broadcast_in_dim3A = vector.shape_cast %reduce_sum3A_28 : vector<128xf32> to vector<1x128xf32>
    %div3A = arith.constant 1.000000e+04 : f32
    %div3A_29 = vector.broadcast %div3A : f32 to vector<1x128xf32>
    %div3A_30 = arith.divf %broadcast_in_dim3A, %div3A_29 : vector<1x128xf32>
    %sub3A = vector.broadcast %div3A_30 : vector<1x128xf32> to vector<10000x128xf32>
    %sub3A_31 = arith.subf %add3A_27, %sub3A : vector<10000x128xf32>
    %integer_pow3A = arith.mulf %sub3A_31, %sub3A_31 : vector<10000x128xf32>
    %reduce_sum3A_32 = arith.constant dense<0.000000e+00> : vector<128xf32>
    %reduce_sum3A_33 = vector.multi_reduction <add>, %integer_pow3A, %reduce_sum3A_32 [0] : vector<10000x128xf32> to vector<128xf32>
    %broadcast_in_dim3A_34 = vector.shape_cast %reduce_sum3A_33 : vector<128xf32> to vector<1x128xf32>
    %div3A_35 = arith.constant 1.000000e+04 : f32
    %div3A_36 = vector.broadcast %div3A_35 : f32 to vector<1x128xf32>
    %div3A_37 = arith.divf %broadcast_in_dim3A_34, %div3A_36 : vector<1x128xf32>
    %sub3A_38 = vector.broadcast %div3A_30 : vector<1x128xf32> to vector<10000x128xf32>
    %sub3A_39 = arith.subf %add3A_27, %sub3A_38 : vector<10000x128xf32>
    %add3A_40 = arith.constant 9.99999974E-6 : f32
    %add3A_41 = vector.broadcast %add3A_40 : f32 to vector<1x128xf32>
    %add3A_42 = arith.addf %div3A_37, %add3A_41 : vector<1x128xf32>
    %sqrt3A = math.sqrt %add3A_42 : vector<1x128xf32>
    %div3A_43 = vector.broadcast %sqrt3A : vector<1x128xf32> to vector<10000x128xf32>
    %div3A_44 = arith.divf %sub3A_39, %div3A_43 : vector<10000x128xf32>
    %get3A_45 = arith.constant 0 : index
    %get3A_46 = arith.constant 0 : index
    %get3A_47 = vector.load %arg5[%get3A_45, %get3A_46] : memref<1x128xf32, #tpu.memory_space<vmem>>, vector<1x128xf32>
    %mul3A_48 = vector.broadcast %get3A_47 : vector<1x128xf32> to vector<10000x128xf32>
    %mul3A_49 = arith.mulf %div3A_44, %mul3A_48 : vector<10000x128xf32>
    %get3A_50 = arith.constant 0 : index
    %get3A_51 = arith.constant 0 : index
    %get3A_52 = vector.load %arg6[%get3A_50, %get3A_51] : memref<1x128xf32, #tpu.memory_space<vmem>>, vector<1x128xf32>
    %add3A_53 = vector.broadcast %get3A_52 : vector<1x128xf32> to vector<10000x128xf32>
    %add3A_54 = arith.addf %mul3A_49, %add3A_53 : vector<10000x128xf32>
    %max3A = arith.constant 0.000000e+00 : f32
    %max3A_55 = vector.broadcast %max3A : f32 to vector<10000x128xf32>
    %max3A_56 = arith.maximumf %add3A_54, %max3A_55 : vector<10000x128xf32>
    %get3A_57 = arith.constant 0 : index
    %get3A_58 = arith.constant 0 : index
    %get3A_59 = vector.load %arg7[%get3A_57, %get3A_58] : memref<128x128xf32, #tpu.memory_space<vmem>>, vector<128x128xf32>
    %dot_general3A_60 = arith.constant dense<0.000000e+00> : vector<10000x128xf32>
    %dot_general3A_61 = tpu.matmul %max3A_56, %get3A_59, %dot_general3A_60 {dimension_numbers = #tpu.dot_dimension_numbers<[1], [1], [0], [0], [0, 0, 1, 0], [], []>, transpose_lhs_hint = false} : vector<10000x128xf32>, vector<128x128xf32>, vector<10000x128xf32> -> vector<10000x128xf32>
    %get3A_62 = arith.constant 0 : index
    %get3A_63 = arith.constant 0 : index
    %get3A_64 = vector.load %arg8[%get3A_62, %get3A_63] : memref<1x128xf32, #tpu.memory_space<vmem>>, vector<1x128xf32>
    %add3A_65 = vector.broadcast %get3A_64 : vector<1x128xf32> to vector<10000x128xf32>
    %add3A_66 = arith.addf %dot_general3A_61, %add3A_65 : vector<10000x128xf32>
    %reduce_sum3A_67 = arith.constant dense<0.000000e+00> : vector<128xf32>
    %reduce_sum3A_68 = vector.multi_reduction <add>, %add3A_66, %reduce_sum3A_67 [0] : vector<10000x128xf32> to vector<128xf32>
    %broadcast_in_dim3A_69 = vector.shape_cast %reduce_sum3A_68 : vector<128xf32> to vector<1x128xf32>
    %div3A_70 = arith.constant 1.000000e+04 : f32
    %div3A_71 = vector.broadcast %div3A_70 : f32 to vector<1x128xf32>
    %div3A_72 = arith.divf %broadcast_in_dim3A_69, %div3A_71 : vector<1x128xf32>
    %sub3A_73 = vector.broadcast %div3A_72 : vector<1x128xf32> to vector<10000x128xf32>
    %sub3A_74 = arith.subf %add3A_66, %sub3A_73 : vector<10000x128xf32>
    %integer_pow3A_75 = arith.mulf %sub3A_74, %sub3A_74 : vector<10000x128xf32>
    %reduce_sum3A_76 = arith.constant dense<0.000000e+00> : vector<128xf32>
    %reduce_sum3A_77 = vector.multi_reduction <add>, %integer_pow3A_75, %reduce_sum3A_76 [0] : vector<10000x128xf32> to vector<128xf32>
    %broadcast_in_dim3A_78 = vector.shape_cast %reduce_sum3A_77 : vector<128xf32> to vector<1x128xf32>
    %div3A_79 = arith.constant 1.000000e+04 : f32
    %div3A_80 = vector.broadcast %div3A_79 : f32 to vector<1x128xf32>
    %div3A_81 = arith.divf %broadcast_in_dim3A_78, %div3A_80 : vector<1x128xf32>
    %sub3A_82 = vector.broadcast %div3A_72 : vector<1x128xf32> to vector<10000x128xf32>
    %sub3A_83 = arith.subf %add3A_66, %sub3A_82 : vector<10000x128xf32>
    %add3A_84 = arith.constant 9.99999974E-6 : f32
    %add3A_85 = vector.broadcast %add3A_84 : f32 to vector<1x128xf32>
    %add3A_86 = arith.addf %div3A_81, %add3A_85 : vector<1x128xf32>
    %sqrt3A_87 = math.sqrt %add3A_86 : vector<1x128xf32>
    %div3A_88 = vector.broadcast %sqrt3A_87 : vector<1x128xf32> to vector<10000x128xf32>
    %div3A_89 = arith.divf %sub3A_83, %div3A_88 : vector<10000x128xf32>
    %get3A_90 = arith.constant 0 : index
    %get3A_91 = arith.constant 0 : index
    %get3A_92 = vector.load %arg9[%get3A_90, %get3A_91] : memref<1x128xf32, #tpu.memory_space<vmem>>, vector<1x128xf32>
    %mul3A_93 = vector.broadcast %get3A_92 : vector<1x128xf32> to vector<10000x128xf32>
    %mul3A_94 = arith.mulf %div3A_89, %mul3A_93 : vector<10000x128xf32>
    %get3A_95 = arith.constant 0 : index
    %get3A_96 = arith.constant 0 : index
    %get3A_97 = vector.load %arg10[%get3A_95, %get3A_96] : memref<1x128xf32, #tpu.memory_space<vmem>>, vector<1x128xf32>
    %add3A_98 = vector.broadcast %get3A_97 : vector<1x128xf32> to vector<10000x128xf32>
    %add3A_99 = arith.addf %mul3A_94, %add3A_98 : vector<10000x128xf32>
    %max3A_100 = arith.constant 0.000000e+00 : f32
    %max3A_101 = vector.broadcast %max3A_100 : f32 to vector<10000x128xf32>
    %max3A_102 = arith.maximumf %add3A_99, %max3A_101 : vector<10000x128xf32>
    %swap3A = arith.constant 0 : index
    %swap3A_103 = arith.constant 0 : index
    %swap3A_104 = vector.load %arg11[%swap3A, %swap3A_103] : memref<10000x128xf32, #tpu.memory_space<vmem>>, vector<10000x128xf32>
    tpu.vector_store %arg11[%swap3A, %swap3A_103], %max3A_102 {strides = array<i32>} : memref<10000x128xf32, #tpu.memory_space<vmem>>, vector<10000x128xf32>,
    return
  }
}

module attributes {stable_mosaic.version = 14 : i64} {
  func.func @body(%arg0: i32, %arg1: memref<16000x16xf32, #tpu.memory_space<vmem>>, %arg2: memref<128x16xf32, #tpu.memory_space<vmem>>, %arg3: memref<1x128xf32, #tpu.memory_space<vmem>>, %arg4: memref<16000x128xf32, #tpu.memory_space<vmem>>) attributes {dimension_semantics = [#tpu.dimension_semantics<arbitrary>], iteration_bounds = array<i64: 20>, scalar_prefetch = 0 : i64, scratch_operands = 0 : i64, tpu.core_type = #tpu.core_type<tc>, window_params = [{transform_indices = @transform_0, window_bounds = array<i64: 16000, 16>}, {pipeline_mode = #tpu.pipeline_mode<synchronous>, transform_indices = @transform_1, window_bounds = array<i64: 128, 16>}, {pipeline_mode = #tpu.pipeline_mode<synchronous>, transform_indices = @transform_2, window_bounds = array<i64: 1, 128>}, {transform_indices = @transform_3, window_bounds = array<i64: 16000, 128>}]} {
    %get3A = arith.constant 0 : index
    %get3A_0 = arith.constant 0 : index
    %get3A_1 = vector.load %arg1[%get3A, %get3A_0] : memref<16000x16xf32, #tpu.memory_space<vmem>>, vector<16000x16xf32>
    %get3A_2 = arith.constant 0 : index
    %get3A_3 = arith.constant 0 : index
    %get3A_4 = vector.load %arg2[%get3A_2, %get3A_3] : memref<128x16xf32, #tpu.memory_space<vmem>>, vector<128x16xf32>
    %dot_general3A = arith.constant dense<0.000000e+00> : vector<16000x128xf32>
    %dot_general3A_5 = tpu.matmul %get3A_1, %get3A_4, %dot_general3A {dimension_numbers = #tpu.dot_dimension_numbers<[1], [1], [0], [0], [0, 0, 1, 0], [], []>, transpose_lhs_hint = false} : vector<16000x16xf32>, vector<128x16xf32>, vector<16000x128xf32> -> vector<16000x128xf32>
    %get3A_6 = arith.constant 0 : index
    %get3A_7 = arith.constant 0 : index
    %get3A_8 = vector.load %arg3[%get3A_6, %get3A_7] : memref<1x128xf32, #tpu.memory_space<vmem>>, vector<1x128xf32>
    %add3A = vector.broadcast %get3A_8 : vector<1x128xf32> to vector<16000x128xf32>
    %add3A_9 = arith.addf %dot_general3A_5, %add3A : vector<16000x128xf32>
    %max3A = arith.constant 0.000000e+00 : f32
    %max3A_10 = vector.broadcast %max3A : f32 to vector<16000x128xf32>
    %max3A_11 = arith.maximumf %add3A_9, %max3A_10 : vector<16000x128xf32>
    %swap3A = arith.constant 0 : index
    %swap3A_12 = arith.constant 0 : index
    %swap3A_13 = vector.load %arg4[%swap3A, %swap3A_12] : memref<16000x128xf32, #tpu.memory_space<vmem>>, vector<16000x128xf32>
    tpu.vector_store %arg4[%swap3A, %swap3A_12], %max3A_11 {strides = array<i32>} : memref<16000x128xf32, #tpu.memory_space<vmem>>, vector<16000x128xf32>,
    return
  }
  func.func @transform_0(%arg0: i32) -> (i32, i32) {
    %c0_i32 = arith.constant 0 : i32
    %c0_i32_0 = arith.constant 0 : i32
    return %arg0, %c0_i32 : i32, i32
  }
  func.func @transform_1(%arg0: i32) -> (i32, i32) {
    %c0_i32 = arith.constant 0 : i32
    %c0_i32_0 = arith.constant 0 : i32
    %c0_i32_1 = arith.constant 0 : i32
    return %c0_i32, %c0_i32_0 : i32, i32
  }
  func.func @transform_2(%arg0: i32) -> (i32, i32) {
    %c0_i32 = arith.constant 0 : i32
    %c0_i32_0 = arith.constant 0 : i32
    %c0_i32_1 = arith.constant 0 : i32
    return %c0_i32, %c0_i32_0 : i32, i32
  }
  func.func @transform_3(%arg0: i32) -> (i32, i32) {
    %c0_i32 = arith.constant 0 : i32
    %c0_i32_0 = arith.constant 0 : i32
    return %arg0, %c0_i32 : i32, i32
  }
}

</mosaic_0001>

<sc_bundles>
// kernel: kernel.5.cloned.1.call-start
scs
__scs_entry_jumppad:
0x0: {  	(pc) =	sbr.rel $0x88, $3  }
0x1: {  	(tag) =	ssettag $0x0;
	lr =	simm.s32 $0x1  }
0x2: {  	[smem:$0x3F93] =	sst lr;
	_ =	strace $0xD0000000  }
0x3: {  	_ = 	snop  }
0x4: {  	_ = 	snop  }
0x5: {  	_ = 	snop  }
0x6: {  	_ = 	snop  }
0x7: {  	_ = 	snop  }
__scs_overlays_trampoline_lowered:
0x8: {  	[smem:$0x3FA2] =	sst s0  }
0x9: {  	[smem:$0x3FA3] =	sst s1  }
0xa: {  	[smem:$0x3FA4] =	sst s2  }
0xb: {  	[smem:$0x3FA5] =	sst s3  }
0xc: {  	[smem:$0x3FA6] =	sst s4  }
0xd: {  	[smem:$0x3FA7] =	sst s5  }
0xe: {  	[smem:$0x3FA8] =	sst s6  }
0xf: {  	[smem:$0x3FA9] =	sst s7  }
0x10: {  	[smem:$0x3FAA] =	sst s8  }
0x11: {  	[smem:$0x3FAB] =	sst s9;
	s0 =	simm.s32 @!p0 $0x0  }
0x12: {  	s1 =	sld [smem:$0x3F91];
	s0 =	simm.s32 @p0 $0x1  }
0x13: {  	[smem:$0x3FAC] =	sst s0;
	s0 =	simm.s32 @!p1 $0x0  }
0x14: {  	s2 =	sld [smem:$0x3F90];
	s0 =	simm.s32 @p1 $0x1  }
0x15: {  	[smem:$0x3FAD] =	sst s0;
	s0 =	simm.s32 @!p2 $0x0  }
0x16: {  	s3 =	sld [smem:$0x3FDB];
	s0 =	simm.s32 @p2 $0x1  }
0x17: {  	s4 =	simm.s32 $0x1BF5;
	[smem:$0x3FAF] =	sst s0  }
0x18: {  	s0 =	sld [smem:$0x3F92];
	_ =	swait.ge [sflag:s4], $0x0  }
0x19: {  	s7 =	sld [smem:$0x3F93]  }
0x1a: {  	s8 =	sadd.s32 $0xFFFFE003, lr  }
0x1b: {  	s9 =	sadd.s32 $0xFFFFFEF7, lr;
	s5 =	simm.s32 $0xFFFFFFFF;
	p2 =	slt.u32 s8, $0xFFFFF086  }
0x1c: {  	p1 =	slt.u32 s9, $0xF7A;
	s5 =	simm.s32 @!p2 $0x0  }
0x1d: {  	s5 =	simm.s32 @p1 $0x1;
	p0 =	seq.s32 s7, s2  }
0x1e: {  	s7 =	smul.u32 @!p0 $0xF7A, s2;
	p2 =	seq.s32 @!p0 s5, $0x0  }
0x1f: {  	s9 =	smul.u32 $0xF7A, s1;
	s8 =	simm.s32 @!p0 $0x1BF5;
	p2 =	por !p2, p0  }
0x20: {  	[sflag:s8] =	ssyncset.s32 @!p0 $0xFFFFF086;
	s6 =	sadd.s32 @!p0 s3, s7;
	s7 =	simm.s32 @!p0 $0x108  }
0x21: {  	s3 =	sadd.s32 s3, s9;
	s6 =	sadd.s32 @!p0 $0x88, s6;
	s7 =	simm.s32 @p2 $0x1082  }
0x22: {  	[simem:s7], [sflag:s8] =	dma.local @!p0 [hbm:s6], $0xF7A  }
0x23: {  	s9 =	sor.u32 $0xD0000000, s2;
	s6 =	simm.s32 $0x108;
	_ =	swait.ge @!p0 [sflag:s8], $0x0  }
0x24: {  	s3 =	sadd.s32 $0x88, s3;
	s6 =	simm.s32 @!p1 $0x1082;
	[sflag:s4] =	ssyncset.s32 $0xFFFFF086  }
0x25: {  	[simem:s6], [sflag:s4] =	dma.local [hbm:s3], $0xF7A  }
0x26: {  	[smem:$0x3F93] =	sst s1;
	(tag) =	ssettag s2;
	_ =	strace s9  }
0x27: {  	s1 =	sld [smem:$0x3FA3]  }
0x28: {  	s2 =	sld [smem:$0x3FA4]  }
0x29: {  	s4 =	sld [smem:$0x3FA6]  }
0x2a: {  	p0 =	seq.s32 s5, $0x0;
	s5 =	sld [smem:$0x3FA7]  }
0x2b: {  	s6 =	sld [smem:$0x3FA8]  }
0x2c: {  	s7 =	sld [smem:$0x3FA9]  }
0x2d: {  	s3 =	simm.s32 $0x108;
	s8 =	sld [smem:$0x3FAA]  }
0x2e: {  	s3 =	simm.s32 @!p0 $0x1082;
	s9 =	sld [smem:$0x3FAB]  }
0x2f: {  	lr =	sadd.s32 s0, s3;
	s0 =	sld [smem:$0x3FA2]  }
0x30: {  	s3 =	sld [smem:$0x3FA5]  }
0x31: {  	[smem:$0x3FAE] =	sst s10  }
0x32: {  	s10 =	sld [smem:$0x3FAC];
	_ =	sdelay $0x3  }
0x33: {  	p0 =	seq.s32 s10, $0x1;
	s10 =	sld [smem:$0x3FAE];
	_ =	sdelay $0x3  }
0x34: {  	[smem:$0x3FAE] =	sst s10  }
0x35: {  	s10 =	sld [smem:$0x3FAD];
	_ =	sdelay $0x3  }
0x36: {  	p1 =	seq.s32 s10, $0x1;
	s10 =	sld [smem:$0x3FAE];
	_ =	sdelay $0x3  }
0x37: {  	[smem:$0x3FAE] =	sst s10  }
0x38: {  	s10 =	sld [smem:$0x3FAF]  }
0x39: {  	_ = 	snop;
	(pc) =	sbr.ind lr, $3  }
0x3a: {  	_ = 	snop  }
0x3b: {  	_ = 	snop  }
0x3c: {  	p2 =	seq.s32 s10, $0x1;
	s10 =	sld [smem:$0x3FAE]  }
0x3d: {  	_ =	shalt  }
0x3e: {  	_ =	shalt  }
0x3f: {  	_ =	shalt  }
0x40: {  	_ =	shalt  }
0x41: {  	_ =	shalt  }
0x42: {  	_ =	shalt  }
0x43: {  	_ =	shalt  }
0x44: {  	_ =	shalt  }
0x45: {  	_ =	shalt  }
0x46: {  	_ =	shalt  }
0x47: {  	_ =	shalt  }
0x48: {  	_ =	shalt  }
0x49: {  	_ =	shalt  }
0x4a: {  	_ =	shalt  }
0x4b: {  	_ =	shalt  }
0x4c: {  	_ =	shalt  }
0x4d: {  	_ =	shalt  }
0x4e: {  	_ =	shalt  }
0x4f: {  	_ =	shalt  }
0x50: {  	_ =	shalt  }
0x51: {  	_ =	shalt  }
0x52: {  	_ =	shalt  }
0x53: {  	_ =	shalt  }
0x54: {  	_ =	shalt  }
0x55: {  	_ =	shalt  }
0x56: {  	_ =	shalt  }
0x57: {  	_ =	shalt  }
0x58: {  	_ =	shalt  }
0x59: {  	_ =	shalt  }
0x5a: {  	_ =	shalt  }
0x5b: {  	_ =	shalt  }
0x5c: {  	_ =	shalt  }
0x5d: {  	_ =	shalt  }
0x5e: {  	_ =	shalt  }
0x5f: {  	_ =	shalt  }
0x60: {  	_ =	shalt  }
0x61: {  	_ =	shalt  }
0x62: {  	_ =	shalt  }
0x63: {  	_ =	shalt  }
0x64: {  	_ =	shalt  }
0x65: {  	_ =	shalt  }
0x66: {  	_ =	shalt  }
0x67: {  	_ =	shalt  }
0x68: {  	_ =	shalt  }
0x69: {  	_ =	shalt  }
0x6a: {  	_ =	shalt  }
0x6b: {  	_ =	shalt  }
0x6c: {  	_ =	shalt  }
0x6d: {  	_ =	shalt  }
0x6e: {  	_ =	shalt  }
0x6f: {  	_ =	shalt  }
0x70: {  	_ =	shalt  }
0x71: {  	_ =	shalt  }
0x72: {  	_ =	shalt  }
0x73: {  	_ =	shalt  }
0x74: {  	_ =	shalt  }
0x75: {  	_ =	shalt  }
0x76: {  	_ =	shalt  }
0x77: {  	_ =	shalt  }
0x78: {  	_ =	shalt  }
0x79: {  	_ =	shalt  }
0x7a: {  	_ =	shalt  }
0x7b: {  	_ =	shalt  }
0x7c: {  	_ =	shalt  }
0x7d: {  	_ =	shalt  }
0x7e: {  	_ =	shalt  }
0x7f: {  	_ =	shalt  }
0x80: {  	_ =	shalt  }
0x81: {  	_ =	shalt  }
0x82: {  	_ =	shalt  }
0x83: {  	_ =	shalt  }
0x84: {  	_ =	shalt  }
0x85: {  	_ =	shalt  }
0x86: {  	_ =	shalt  }
0x87: {  	_ =	shalt  }
.Lfunc_end0:
.L_simem_size_0:
called_computation_lowered:
.L_overlay_start_0:
0x88: {  	s2 =	sld [smem:$0x3FD9]  }
0x89: {  	s3 =	sld [smem:$0x3FFE];
	_ =	sdelay $0x1  }
0x8a: {  	s1 =	srdreg.scid  }
0x8b: {  	s0 =	sand.u32 $0x1, s1  }
0x8c: {  	s17 =	sshll.u32 s0, $0xA;
	s2 =	sadd.s32 s3, s2  }
0x8d: {  	s2 =	sadd.s32 s2, s17  }
0x8e: {  	[smem:$0x3FBA] =	sst s2  }
0x8f: {  	_ = 	snop  }
0x90: {  	s2 =	sld [smem:$0x3FC9]  }
0x91: {  	s18 =	sld [smem:$0x3FD0];
	(tm) =	ssettm $0x1  }
0x92: {  	s4 =	sld [smem:$0x3FFB];
	_ =	sdelay $0x3  }
0x93: {  	_ =	strace s4  }
0x94: {  	s4 =	sld [smem:$0x3FFC];
	_ =	sdelay $0x3  }
0x95: {  	_ =	strace s4  }
0x96: {  	s4 =	sld [smem:$0x3FFD];
	_ =	sdelay $0x3  }
0x97: {  	_ =	strace s4  }
0x98: {  	_ =	strace $0x8FFFFFFF  }
0x99: {  	s19 =	sld [smem:$0x3FDB];
	_ =	sdelay $0x1  }
0x9a: {  	s5 =	simm.s32 $_scs_section_size  }
0x9b: {  	s6 =	simm.s32 $_size__tile_overlayer_lowered;
	s7 =	simm.s32 $_tile_overlayer_lowered  }
0x9c: {  	s22 =	simm.s32 $0x1BFF;
	s21 =	sshll.u32 s7, $0x1;
	s4 =	sadd.s32 s5, s19  }
0x9d: {  	s8 =	simm.s32 $0x0;
	s20 =	sshll.u32 s6, $0x1;
	s6 =	sadd.s32 s21, s4  }
0x9e: {  	[timem:s8], [sflag:s22] =	dma.local [hbm:s6], s20  }
0x9f: {  	_ =	swait.ge [sflag:s22], s20  }
0xa0: {  	s5 =	ssub.s32 $0x0, s20;
	[sflag:s22] =	ssyncset.done $0x0  }
0xa1: {  	[sflag:s22] =	ssyncadd.s32 s5;
	_ =	sdelay $0x1  }
0xa2: {  	s23 =	simm.s32 $0x1B8B  }
0xa3: {  	_ =	swait.ge [sflag:s23], $0x1  }
0xa4: {  	[sflag:s23] =	ssyncset.done $0x0  }
0xa5: {  	s25 =	simm.s32 $0x1B8E;
	s24 =	sld [smem:$0x3FFE];
	[sflag:s23] =	ssyncadd.s32 $0xFFFFFFFF  }
0xa6: {  	s26 =	simm.s32 $execute0_lowered;
	[smem:$0x3FD2] =	sst s25  }
0xa7: {  	s6 =	sshll.u32 s26, $0x1;
	_ =	strace $0x80000046;
	[dreg:$0x1] =	wrdreg $0xFFFFFFFF  }
0xa8: {  	s28 =	simm.s32 $_size_execute0_lowered;
	s4 =	sadd.s32 s4, s6;
	[dreg:$0x0] =	wrdreg $0x0  }
0xa9: {  	s6 =	sshll.u32 s28, $0x1;
	[dreg:$0x2] =	wrdreg s4  }
0xaa: {  	[dreg:$0x3] =	wrdreg s6  }
0xab: {  	[dreg:$0x4] =	wrdreg $0xC0  }
0xac: {  	_ =	task [dreg:s8], $0x5FFFF  }
0xad: {  	[dreg:$0x1] =	wrdreg $0xFFFFFFFF  }
0xae: {  	[dreg:$0x0] =	wrdreg $0x60  }
0xaf: {  	[dreg:$0x2] =	wrdreg s2  }
0xb0: {  	[dreg:$0x3] =	wrdreg s24  }
0xb1: {  	[dreg:$0x4] =	wrdreg s18  }
0xb2: {  	[dreg:$0x5] =	wrdreg $0xA7000  }
0xb3: {  	[dreg:$0x6] =	wrdreg $0x9  }
0xb4: {  	_ =	task.clear_ibuf [dreg:s8], $0x7FFFF;
	_ =	strace $0x90000046  }
0xb5: {  	s29 =	simm.s32 $0x9;
	_ =	strace $0x80000048  }
0xb6: {  	_ =	swait.ge [sflag:s29], $0x1  }
0xb7: {  	[sflag:s29] =	ssyncadd.s32 $0xFFFFFFFF  }
0xb8: {  	_ =	strace $0x90000048  }
0xb9: {  	_ =	sfence  }
0xba: {  	s30 =	sld [smem:$0x0];
	_ =	sdelay $0x2  }
0xbb: {  	s31 =	sshll.u32 s1, $0xD;
	s1 =	sshrl.u32 s1, $0x2  }
0xbc: {  	s3 =	sand.u32 $0x4000, s31;
	s1 =	sadd.s32 s1, s30  }
0xbd: {  	s0 =	sor.u32 s3, s0;
	s1 =	sshll.u32 s1, $0x11  }
0xbe: {  	s0 =	sor.u32 s1, s0  }
0xbf: {  	s0 =	sadd.s32 $0x8F2B, s0  }
0xc0: {  	[sflag:s0] =	ssyncadd.remote.s32 $0x1  }
0xc1: {  	_ =	sfence.sel $0xFFFF  }
0xc2: {  	[dreg:$0x0] =	wrdreg $0xFFFFFFFF;
	(pc) =	sbr.abs _section_cstart, $3  }
0xc3: {  	[dreg:$0x1] =	wrdreg $0xFFFFFFFF  }
0xc4: {  	_ =	task.clear_ibuf [dreg:s8], $0x2FFFF;
	_ =	strace $0x9FFFFFFF  }
0xc5: {  	(tm) =	ssettm $0x7FFFFFFF  }
tec
execute0_lowered:
.L_overlay_start_1:
0x0: {  	(tag) =	ssettag $0x1  }
0x1: {  	s0 =	srdreg.scid  }
0x2: {  	s22 =	stileid.u32;
	s3 =	rddreg [dreg:$0x1];
	s1 =	simm.s32 $0x0  }
0x3: {  	s30 =	simm.s32 $0x7;
	s31 =	simm.s32 $0x0;
	s4 =	sand.u32 $0x1, s0  }
0x4: {  	s25 =	sshll.u32 s22, $0x1;
	[smem:$0x7FF] =	sst s1;
	s6 =	sadd.s32 $0x1E00, s3  }
0x5: {  	p0 =	sgt.u32 s22, $0xB;
	p3 =	sgt.u32 s22, $0x3;
	s10 =	smul.u32 $0x138800, s4  }
0x6: {  	s0 =	sor.u32 s4, s25;
	s2 =	ssub.s32 $0x2, s4;
	s4 =	smul.u32 $0x9C, s4  }
0x7: {  	p2 =	sne.s32 @p0 s22, $0xC;
	s5 =	smul.u32 $0x9C, s0;
	s7 =	sshrl.u32 s2, $0x1  }
0x8: {  	s8 =	smin.u32 s0, $0x8;
	p1 =	por p2, !p0;
	p2 =	por !p2, !p0  }
0x9: {  	s0 =	ssub.s32 s2, s7;
	s2 =	sadd.s32 s8, s5;
	s5 =	sshll.u32 s22, $0xD  }
0xa: {  	s0 =	smax.u32 s0, $0x1;
	s7 =	sor.u32 $0x20000, s5;
	s9 =	sor.u32 $0x40000, s5  }
0xb: {  	s12 =	sor.u32 $0x60000, s5;
	s14 =	sor.u32 $0x80000, s5;
	s16 =	sor.u32 $0xA0000, s5  }
0xc: {  	s18 =	sor.u32 $0xC0000, s5;
	s19 =	sor.u32 $0xE0000, s5;
	s11 =	sadd.s32 s5, s10  }
0xd: {  	s20 =	sor.u32 $0x100000, s5;
	s11 =	sshrl.u32 s11, $0x3;
	s13 =	sadd.s32 s10, s7  }
0xe: {  	s28 =	sadd.s32 s10, s9;
	s17 =	sadd.s32 s10, s12;
	s23 =	sadd.s32 s10, s14  }
0xf: {  	s11 =	sadd.s32 s6, s11;
	s26 =	sshrl.u32 s13, $0x3;
	s15 =	sshrl.u32 s28, $0x3  }
0x10: {  	s21 =	sshrl.u32 s17, $0x3;
	s13 =	sshrl.u32 s23, $0x3;
	s17 =	smul.u32 $0x138, s22  }
0x11: {  	s28 =	sadd.s32 s10, s19;
	[dreg:$0x5] =	wrdreg s11;
	s11 =	sadd.s32 s6, s26  }
0x12: {  	s24 =	sadd.s32 s6, s13;
	s26 =	sadd.s32 s10, s18;
	[dreg:$0x6] =	wrdreg s11  }
0x13: {  	s11 =	sadd.s32 s6, s15;
	s15 =	sadd.s32 s10, s16;
	[dreg:$0x9] =	wrdreg s24  }
0x14: {  	s8 =	sadd.s32 s17, s8;
	s17 =	sshrl.u32 s26, $0x3;
	s24 =	sadd.s32 s10, s20  }
0x15: {  	[dreg:$0x7] =	wrdreg s11;
	s11 =	sadd.s32 s6, s21;
	s25 =	sshrl.u32 s15, $0x3  }
0x16: {  	s21 =	sshrl.u32 s28, $0x3;
	s15 =	rddreg [dreg:$0x3];
	s4 =	sadd.s32 s4, s8  }
0x17: {  	[dreg:$0x8] =	wrdreg s11;
	s11 =	sadd.s32 s6, s25;
	s23 =	sadd.s32 s6, s21  }
0x18: {  	s25 =	sshrl.u32 s24, $0x3;
	s21 =	sor.u32 $0x120000, s5;
	[dreg:$0xa] =	wrdreg s11  }
0x19: {  	s24 =	sadd.s32 s7, s15;
	s11 =	sadd.s32 s6, s17;
	[dreg:$0xc] =	wrdreg s23  }
0x1a: {  	s7 =	sadd.s32 s9, s15;
	s8 =	sadd.s32 s12, s15;
	[dreg:$0xb] =	wrdreg s11  }
0x1b: {  	s13 =	sadd.s32 s6, s25;
	s26 =	sadd.s32 s10, s21;
	s11 =	rddreg [dreg:$0x0]  }
0x1c: {  	s9 =	sadd.s32 s14, s15;
	[dreg:$0xd] =	wrdreg s13;
	s28 =	sshrl.u32 s26, $0x3  }
0x1d: {  	s18 =	sadd.s32 s18, s15;
	s13 =	rddreg [dreg:$0x2];
	s17 =	sadd.s32 s6, s28  }
0x1e: {  	s19 =	sadd.s32 s19, s15;
	s20 =	sadd.s32 s20, s15;
	[dreg:$0xe] =	wrdreg s17  }
0x1f: {  	s12 =	sadd.s32 $0x9C, s2;
	_ =	strace $0x80000047;
	[dreg:$0xf] =	wrdreg s7  }
0x20: {  	s10 =	sshrl.u32 s10, $0x3;
	s14 =	sshll.u32 s12, $0x4;
	[dreg:$0x10] =	wrdreg s8  }
0x21: {  	s6 =	sadd.s32 s6, s10;
	s10 =	sadd.s32 s16, s15;
	[dreg:$0x11] =	wrdreg s9  }
0x22: {  	s29 =	sadd.s32 $0x13880, s13;
	s16 =	sadd.s32 s13, s14;
	[dreg:$0x12] =	wrdreg s10  }
0x23: {  	s23 =	sadd.s32 s5, s15;
	s5 =	sadd.s32 s14, s29;
	[dreg:$0x16] =	wrdreg s16  }
0x24: {  	s21 =	sadd.s32 s21, s15;
	s26 =	sadd.s32 $0x27000, s6;
	[dreg:$0x17] =	wrdreg s5  }
0x25: {  	s25 =	sshll.u32 s4, $0xA;
	s17 =	sadd.s32 $0x4E3E00, s3;
	[dreg:$0x19] =	wrdreg s26  }
0x26: {  	s3 =	sshll.u32 s12, $0xA;
	s6 =	simm.s32 $0x2700;
	[dreg:$0x1a] =	wrdreg s0  }
0x27: {  	s12 =	simm.s32 $0x8;
	s3 =	sand.u32 $0x1FFFFC00, s3;
	[dreg:$0x13] =	wrdreg s19  }
.Ltmp0:
0x28: {  	s5 =	sadd.s32 $0x138000, s15;
	[dreg:$0x14] =	wrdreg s20;
	(pc) =	sbr.rel .LBB2_1-.Ltmp0, $4  }
0x29: {  	s7 =	simm.s32 $0x9;
	[dreg:$0x15] =	wrdreg s18;
	s3 =	sadd.s32 s17, s3  }
0x2a: {  	s8 =	simm.s32 $0x40;
	[dreg:$0x18] =	wrdreg s3;
	s3 =	sadd.s32 s25, s17  }
0x2b: {  	s9 =	simm.s32 $0x6700;
	[dreg:$0x1c] =	wrdreg s5;
	s28 =	sadd.s32 $0x400, s3  }
0x2c: {  	v0 =	vimm.f32 $0.0e+00;
	s10 =	simm.s32 $0x6;
	s16 =	simm.s32 $0x5;
	[dreg:$0x1b] =	wrdreg s28  }
.LBB2_11:
0x2d: {  	s0 =	simm.s32 @!p3 $0x0;
	s3 =	rddreg [dreg:$0x16]  }
0x2e: {  	[tilespmem:s0], [sflag:$0x9] =	stream.linear.gather @!p3 [hbm4b:s3+s0], $0x80, $0x38;
	[tilespmem:$0x1DF80] =	vst v63  }
0x2f: {  	s3 =	simm.s32 @!p3 $0x9  }
0x30: {  	_ =	swait.ge @!p3 [sflag:s3], $0x80  }
0x31: {  	[sflag:s3] =	ssyncset.done @!p3 $0x0  }
0x32: {  	s4 =	simm.s32 @!p3 $0x1380;
	s14 =	rddreg [dreg:$0x17];
	[sflag:s3] =	ssyncadd.s32 @!p3 $0xFFFFFF80  }
0x33: {  	[tilespmem:s4], [sflag:$0x9] =	stream.linear.gather @!p3 [hbm4b:s14+s0], $0x80, $0x38;
	[tilespmem:$0x1DF80] =	vst v63  }
0x34: {  	_ =	swait.ge @!p3 [sflag:s3], $0x80  }
0x35: {  	[sflag:s3] =	ssyncset.done @!p3 $0x0  }
0x36: {  	s18 =	simm.s32 @!p3 $0x2700;
	s14 =	simm.s32 @!p3 $0x40;
	[sflag:s3] =	ssyncadd.s32 @!p3 $0xFFFFFF80  }
0x37: {  	[tilespmem:s18], [sflag:$0x9] =	stream.indirect.gather @!p3 [hbm4b:s11+s14], $0x80, s0, s14, $0xb8;
	[tilespmem:$0x1DF80] =	vst v63  }
0x38: {  	_ =	swait.ge @!p3 [sflag:s3], $0x2000  }
0x39: {  	[sflag:s3] =	ssyncset.done @!p3 $0x0  }
0x3a: {  	s19 =	simm.s32 @!p3 $0x6700;
	s20 =	rddreg [dreg:$0x18];
	[sflag:s3] =	ssyncadd.s32 @!p3 $0xFFFFE000  }
0x3b: {  	[tilespmem:s19], [sflag:$0x9] =	stream.linear.gather @!p3 [hbm4b:s20+s0], $0x2000, $0x38;
	[tilespmem:$0x1DF80] =	vst v63  }
0x3c: {  	_ =	swait.ge @!p3 [sflag:s3], $0x2000  }
0x3d: {  	[sflag:s3] =	ssyncset.done @!p3 $0x0  }
0x3e: {  	[sflag:s3] =	ssyncadd.s32 @!p3 $0xFFFFE000  }
0x3f: {  	[spmem:s15] =	stream.indirect.scatter.add.f32 @!p3 [tilespmem:s18], [sflag:$0x9], $0x80, s4, s14, $0xb8;
	[tilespmem:$0x1DF80] =	vst v63  }
0x40: {  	_ =	swait.ge @!p3 [sflag:s3], $0x2000  }
0x41: {  	[sflag:s3] =	ssyncset.done @!p3 $0x0  }
0x42: {  	[sflag:s3] =	ssyncadd.s32 @!p3 $0xFFFFE000  }
0x43: {  	[spmem:s15] =	stream.indirect.scatter.add.f32 @!p3 [tilespmem:s19], [sflag:$0x9], $0x80, s4, s14, $0xb8;
	[tilespmem:$0x1DF80] =	vst v63  }
0x44: {  	_ =	swait.ge @!p3 [sflag:s3], $0x2000  }
0x45: {  	[sflag:s3] =	ssyncset.done @!p3 $0x0  }
0x46: {  	[sflag:s3] =	ssyncadd.s32 @!p3 $0xFFFFE000;
	s3 =	stileid.u32  }
0x47: {  	s0 =	sshll.u32 s3, $0x6;
	[bflag:$0x0] =	sbarrier.arrive $0xFFFF  }
0x48: {  	s4 =	sshrl.u32 s26, $0x3;
	s0 =	sor.u32 $0x1C09, s0;
	s14 =	rddreg [dreg:$0x5]  }
0x49: {  	[hbm:s14], [sflag:s0] =	dma.local [spmem:s4], $0x400  }
0x4a: {  	_ =	swait.ge [sflag:s7], $0x400  }
0x4b: {  	[sflag:s7] =	ssyncset.done $0x0  }
0x4c: {  	s18 =	sshrl.u32 s28, $0x3;
	s19 =	rddreg [dreg:$0x6];
	[sflag:s7] =	ssyncadd.s32 $0xFFFFFC00  }
0x4d: {  	[hbm:s19], [sflag:s0] =	dma.local [spmem:s18], $0x400  }
0x4e: {  	_ =	swait.ge [sflag:s7], $0x400  }
0x4f: {  	[sflag:s7] =	ssyncset.done $0x0;
	s20 =	rddreg [dreg:$0xf]  }
0x50: {  	s21 =	rddreg [dreg:$0x7];
	[sflag:s7] =	ssyncadd.s32 $0xFFFFFC00;
	s3 =	sshrl.u32 s20, $0x3  }
0x51: {  	[hbm:s21], [sflag:s0] =	dma.local [spmem:s3], $0x400  }
0x52: {  	_ =	swait.ge [sflag:s7], $0x400  }
0x53: {  	[sflag:s7] =	ssyncset.done $0x0;
	s22 =	rddreg [dreg:$0x10]  }
0x54: {  	s25 =	rddreg [dreg:$0x8];
	[sflag:s7] =	ssyncadd.s32 $0xFFFFFC00;
	s3 =	sshrl.u32 s22, $0x3  }
0x55: {  	[hbm:s25], [sflag:s0] =	dma.local [spmem:s3], $0x400  }
0x56: {  	s23 =	smov.u32 s26;
	_ =	swait.ge [sflag:s7], $0x400  }
0x57: {  	s24 =	smov.u32 s28;
	[sflag:s7] =	ssyncset.done $0x0;
	s26 =	rddreg [dreg:$0x11]  }
0x58: {  	s28 =	rddreg [dreg:$0x9];
	[sflag:s7] =	ssyncadd.s32 $0xFFFFFC00;
	s3 =	sshrl.u32 s26, $0x3  }
0x59: {  	[hbm:s28], [sflag:s0] =	dma.local [spmem:s3], $0x400  }
0x5a: {  	_ =	swait.ge [sflag:s7], $0x400  }
0x5b: {  	[sflag:s7] =	ssyncset.done $0x0;
	s14 =	rddreg [dreg:$0x12]  }
0x5c: {  	s18 =	rddreg [dreg:$0xa];
	[sflag:s7] =	ssyncadd.s32 $0xFFFFFC00;
	s3 =	sshrl.u32 s14, $0x3  }
0x5d: {  	[hbm:s18], [sflag:s0] =	dma.local [spmem:s3], $0x400  }
0x5e: {  	_ =	swait.ge [sflag:s7], $0x400  }
0x5f: {  	[sflag:s7] =	ssyncset.done $0x0;
	s18 =	rddreg [dreg:$0x15]  }
0x60: {  	s20 =	rddreg [dreg:$0xb];
	[sflag:s7] =	ssyncadd.s32 $0xFFFFFC00;
	s19 =	sshrl.u32 s18, $0x3  }
0x61: {  	[hbm:s20], [sflag:s0] =	dma.local [spmem:s19], $0x400  }
0x62: {  	_ =	swait.ge [sflag:s7], $0x400  }
0x63: {  	[sflag:s7] =	ssyncset.done $0x0;
	s19 =	rddreg [dreg:$0x13]  }
0x64: {  	s22 =	rddreg [dreg:$0xc];
	[sflag:s7] =	ssyncadd.s32 $0xFFFFFC00;
	s21 =	sshrl.u32 s19, $0x3  }
0x65: {  	[hbm:s22], [sflag:s0] =	dma.local [spmem:s21], $0x400  }
0x66: {  	_ =	swait.ge [sflag:s7], $0x400  }
0x67: {  	[sflag:s7] =	ssyncset.done $0x0;
	s20 =	rddreg [dreg:$0x14]  }
0x68: {  	s26 =	rddreg [dreg:$0xd];
	[sflag:s7] =	ssyncadd.s32 $0xFFFFFC00;
	s25 =	sshrl.u32 s20, $0x3  }
0x69: {  	[hbm:s26], [sflag:s0] =	dma.local [spmem:s25], $0x400  }
0x6a: {  	_ =	swait.ge [sflag:s7], $0x400  }
0x6b: {  	[sflag:s7] =	ssyncset.done $0x0  }
0x6c: {  	s3 =	sshrl.u32 @!p0 s5, $0x3;
	s4 =	rddreg [dreg:$0xe];
	[sflag:s7] =	ssyncadd.s32 $0xFFFFFC00  }
0x6d: {  	[hbm:s4], [sflag:s0] =	dma.local @!p0 [spmem:s3], $0x400  }
0x6e: {  	s3 =	simm.s32 @!p0 $0x9  }
0x6f: {  	_ =	swait.ge @!p0 [sflag:s3], $0x400  }
0x70: {  	s21 =	smov.u32 s5;
	[sflag:s3] =	ssyncset.done @!p0 $0x0;
	s5 =	rddreg [dreg:$0x1c]  }
0x71: {  	s4 =	rddreg [dreg:$0x19];
	[sflag:s3] =	ssyncadd.s32 @!p0 $0xFFFFFC00;
	s3 =	sshrl.u32 @p4 s5, $0x3  }
0x72: {  	[hbm:s4], [sflag:s0] =	dma.local @p4 [spmem:s3], $0x100  }
0x73: {  	s0 =	simm.s32 @p4 $0x9  }
0x74: {  	_ =	swait.ge @p4 [sflag:s0], $0x100  }
0x75: {  	s31 =	sadd.s32 $0x1, s31;
	s28 =	rddreg [dreg:$0x1a]  }
0x76: {  	p5 =	sne.s32 s31, s28  }
.Ltmp1:
0x77: {  	_ = 	snop;
	(pc) =	sbr.rel @!p5 .LBB2_12-.Ltmp1, $3  }
0x78: {  	_ =	sdelay $0x1  }
0x79: {  	[sflag:s0] =	ssyncset.done @p4 $0x0  }
0x7a: {  	[sflag:s0] =	ssyncadd.s32 @p4 $0xFFFFFF00  }
.LBB2_1:
0x7b: {  	s0 =	sand.u32 $0x7E00, s1  }
0x7c: {  	s3 =	sand.u32 $0x70, s1;
	s4 =	sshrl.u32 s0, $0x2  }
0x7d: {  	s0 =	simm.s32 $0x40;
	s4 =	sor.u32 s3, s4;
	s3 =	simm.s32 $0x0  }
.LBB2_2:
0x7e: {  	p4 =	sne.s32 s0, $0x7FC0  }
0x7f: {  	[tilespmem:s4+$0x2700] =	vst v0;
	s3 =	sadd.s32 $0x10, s3;
	s4 =	smov.u32 s0;
	s0 =	sadd.s32 $0x40, s0  }
.Ltmp2:
0x80: {  	(pc) =	sbr.rel @p4 .LBB2_2-.Ltmp2, $4  }
0x81: {  	_ = 	snop  }
0x82: {  	s4 =	sand.u32 $0x7E00, s4  }
0x83: {  	s14 =	sand.u32 $0x70, s3;
	s4 =	sshrl.u32 s4, $0x2  }
0x84: {  	s4 =	sor.u32 s14, s4  }
0x85: {  	[tilespmem:s4+$0x2700] =	vst v0  }
0x86: {  	[spmem:s23] =	stream.linear.scatter [tilespmem:s6], [sflag:$0x9], $0x2000, $0x38;
	[tilespmem:$0x1DF80] =	vst v63  }
0x87: {  	_ =	swait.ge [sflag:s7], $0x2000  }
0x88: {  	[sflag:s7] =	ssyncset.done $0x0  }
0x89: {  	[sflag:s7] =	ssyncadd.s32 $0xFFFFE000  }
0x8a: {  	[spmem:s24] =	stream.linear.scatter [tilespmem:s6], [sflag:$0x9], $0x2000, $0x38;
	[tilespmem:$0x1DF80] =	vst v63  }
0x8b: {  	_ =	swait.ge [sflag:s7], $0x2000  }
0x8c: {  	[sflag:s7] =	ssyncset.done $0x0  }
0x8d: {  	s0 =	rddreg [dreg:$0xf];
	[sflag:s7] =	ssyncadd.s32 $0xFFFFE000  }
0x8e: {  	[spmem:s0] =	stream.linear.scatter [tilespmem:s6], [sflag:$0x9], $0x2000, $0x38;
	[tilespmem:$0x1DF80] =	vst v63  }
0x8f: {  	_ =	swait.ge [sflag:s7], $0x2000  }
0x90: {  	[sflag:s7] =	ssyncset.done $0x0  }
0x91: {  	s26 =	smov.u32 s23;
	s23 =	rddreg [dreg:$0x10];
	[sflag:s7] =	ssyncadd.s32 $0xFFFFE000  }
0x92: {  	[spmem:s23] =	stream.linear.scatter [tilespmem:s6], [sflag:$0x9], $0x2000, $0x38;
	[tilespmem:$0x1DF80] =	vst v63  }
0x93: {  	_ =	swait.ge [sflag:s7], $0x2000  }
0x94: {  	[sflag:s7] =	ssyncset.done $0x0  }
0x95: {  	s28 =	smov.u32 s24;
	s24 =	rddreg [dreg:$0x11];
	[sflag:s7] =	ssyncadd.s32 $0xFFFFE000  }
0x96: {  	[spmem:s24] =	stream.linear.scatter [tilespmem:s6], [sflag:$0x9], $0x2000, $0x38;
	[tilespmem:$0x1DF80] =	vst v63  }
0x97: {  	_ =	swait.ge [sflag:s7], $0x2000  }
0x98: {  	[sflag:s7] =	ssyncset.done $0x0  }
0x99: {  	s25 =	rddreg [dreg:$0x12];
	[sflag:s7] =	ssyncadd.s32 $0xFFFFE000  }
0x9a: {  	[spmem:s25] =	stream.linear.scatter [tilespmem:s6], [sflag:$0x9], $0x2000, $0x38;
	[tilespmem:$0x1DF80] =	vst v63  }
0x9b: {  	_ =	swait.ge [sflag:s7], $0x2000  }
0x9c: {  	[sflag:s7] =	ssyncset.done $0x0  }
0x9d: {  	[sflag:s7] =	ssyncadd.s32 $0xFFFFE000  }
0x9e: {  	[spmem:s18] =	stream.linear.scatter [tilespmem:s6], [sflag:$0x9], $0x2000, $0x38;
	[tilespmem:$0x1DF80] =	vst v63  }
0x9f: {  	_ =	swait.ge [sflag:s7], $0x2000  }
0xa0: {  	[sflag:s7] =	ssyncset.done $0x0  }
0xa1: {  	[sflag:s7] =	ssyncadd.s32 $0xFFFFE000  }
0xa2: {  	[spmem:s19] =	stream.linear.scatter [tilespmem:s6], [sflag:$0x9], $0x2000, $0x38;
	[tilespmem:$0x1DF80] =	vst v63  }
0xa3: {  	_ =	swait.ge [sflag:s7], $0x2000  }
0xa4: {  	[sflag:s7] =	ssyncset.done $0x0  }
0xa5: {  	[sflag:s7] =	ssyncadd.s32 $0xFFFFE000  }
0xa6: {  	[spmem:s20] =	stream.linear.scatter [tilespmem:s6], [sflag:$0x9], $0x2000, $0x38;
	[tilespmem:$0x1DF80] =	vst v63  }
0xa7: {  	_ =	swait.ge [sflag:s7], $0x2000  }
0xa8: {  	[sflag:s7] =	ssyncset.done $0x0  }
0xa9: {  	s0 =	simm.s32 @!p1 $0x2700;
	[sflag:s7] =	ssyncadd.s32 $0xFFFFE000  }
0xaa: {  	[spmem:s5] =	stream.linear.scatter @!p1 [tilespmem:s0], [sflag:$0x9], $0x800, $0x38;
	[tilespmem:$0x1DF80] =	vst v63  }
0xab: {  	s0 =	simm.s32 @!p1 $0x9  }
0xac: {  	_ =	swait.ge @!p1 [sflag:s0], $0x800  }
0xad: {  	[sflag:s0] =	ssyncset.done @!p1 $0x0  }
0xae: {  	[sflag:s0] =	ssyncadd.s32 @!p1 $0xFFFFF800;
	s0 =	simm.s32 @!p0 $0x2700  }
0xaf: {  	[spmem:s21] =	stream.linear.scatter @!p0 [tilespmem:s0], [sflag:$0x9], $0x2000, $0x38;
	[tilespmem:$0x1DF80] =	vst v63  }
0xb0: {  	s0 =	simm.s32 @!p0 $0x9  }
.Ltmp3:
0xb1: {  	_ =	swait.ge @!p0 [sflag:s0], $0x2000;
	(pc) =	sbr.rel .LBB2_4-.Ltmp3, $4  }
0xb2: {  	p5 =	por @p0 $0x0, $0x0;
	p4 =	por @!p1 $0x1, $0x1;
	[sflag:s0] =	ssyncset.done @!p0 $0x0  }
0xb3: {  	s14 =	simm.s32 $0x0;
	s3 =	simm.s32 $0x0;
	[sflag:s0] =	ssyncadd.s32 @!p0 $0xFFFFE000  }
0xb4: {  	p4 =	por @!p2 p5, p5;
	p5 =	por @!p0 $0x0, $0x0;
	[bflag:$0x0] =	sbarrier.arrive $0xFFFF  }
0xb5: {  	p4 =	por @!p0 p5, p5;
	s5 =	smov.u32 s21;
	s19 =	rddreg [dreg:$0x1b]  }
.LBB2_10:
0xb6: {  	_ =	swait.ge [sflag:s10], $0x2000  }
0xb7: {  	[sflag:s10] =	ssyncset.done $0x0  }
0xb8: {  	[sflag:s10] =	ssyncadd.s32 $0xFFFFE000  }
0xb9: {  	_ =	swait.ge [sflag:s12], $0x2000  }
0xba: {  	[sflag:s12] =	ssyncset.done $0x0  }
0xbb: {  	s3 =	sadd.s32 $0x1, s3;
	[sflag:s12] =	ssyncadd.s32 $0xFFFFE000  }
0xbc: {  	p5 =	sne.s32 s3, $0x4;
	_ =	swait.ge [sflag:s16], $0x2000  }
.Ltmp4:
0xbd: {  	[sflag:s16] =	ssyncset.done $0x0;
	(pc) =	sbr.rel @!p5 .LBB2_11-.Ltmp4, $4  }
0xbe: {  	[sflag:s16] =	ssyncadd.s32 $0xFFFFE000  }
0xbf: {  	_ =	swait.ge [sflag:s30], $0x2000  }
0xc0: {  	[sflag:s30] =	ssyncset.done $0x0  }
0xc1: {  	s19 =	sadd.s32 $0x9C00, s19;
	[sflag:s30] =	ssyncadd.s32 $0xFFFFE000  }
.LBB2_4:
0xc2: {  	s0 =	smul.u32 $0x27, s3;
	_ =	sdelay $0x1  }
0xc3: {  	s4 =	sadd.s32 s2, s0  }
0xc4: {  	s0 =	sshll.u32 s4, $0x4  }
0xc5: {  	s18 =	sadd.s32 s13, s0  }
0xc6: {  	[tilespmem:s14], [sflag:$0x9] =	stream.linear.gather [hbm4b:s18+s14], $0x1380, $0x38;
	[tilespmem:$0x1DF80] =	vst v63  }
0xc7: {  	_ =	swait.ge [sflag:s7], $0x1380  }
0xc8: {  	[sflag:s7] =	ssyncset.done $0x0  }
0xc9: {  	s25 =	sadd.s32 s0, s29;
	s0 =	simm.s32 $0x1380;
	[sflag:s7] =	ssyncadd.s32 $0xFFFFEC80  }
0xca: {  	[tilespmem:s0], [sflag:$0x9] =	stream.linear.gather [hbm4b:s25+s14], $0x1380, $0x38;
	[tilespmem:$0x1DF80] =	vst v63  }
0xcb: {  	_ =	swait.ge [sflag:s7], $0x1380  }
0xcc: {  	s4 =	sshll.u32 s4, $0xA;
	[sflag:s7] =	ssyncset.done $0x0  }
.Ltmp5:
0xcd: {  	s4 =	sand.u32 $0x1FFFFC00, s4;
	[sflag:s7] =	ssyncadd.s32 $0xFFFFEC80;
	(pc) =	sbr.rel .LBB2_5-.Ltmp5, $4  }
0xce: {  	[tilespmem:s6], [sflag:$0x1] =	stream.indirect.gather [hbm4b:s11+s8], $0x80, s14, s8, $0xb8;
	[tilespmem:$0x1DF80] =	vst v63  }
0xcf: {  	s4 =	sadd.s32 s17, s4  }
0xd0: {  	[tilespmem:s9], [sflag:$0x3] =	stream.linear.gather [hbm4b:s4+s14], $0x2000, $0x38;
	[tilespmem:$0x1DF80] =	vst v63  }
0xd1: {  	s20 =	simm.s32 $0x0;
	s18 =	simm.s32 $0x80;
	s4 =	smov.u32 s19  }
.LBB2_8:
0xd2: {  	s23 =	sshll.u32 s22, $0xD  }
0xd3: {  	s25 =	sadd.s32 $0x1, s22;
	s24 =	sadd.s32 $0x2700, s23  }
0xd4: {  	[tilespmem:s24], [sflag:s25] =	stream.indirect.gather [hbm4b:s11+s8], $0x80, s18, s8, $0xb8;
	[tilespmem:$0x1DF80] =	vst v63  }
0xd5: {  	s23 =	sadd.s32 $0x6700, s23;
	s25 =	sadd.s32 $0x3, s22  }
0xd6: {  	[tilespmem:s23], [sflag:s25] =	stream.linear.gather [hbm4b:s4+s1], $0x2000, $0x38;
	[tilespmem:$0x1DF80] =	vst v63  }
.LBB2_9:
0xd7: {  	s22 =	sadd.s32 $0x1, s21  }
0xd8: {  	_ =	swait.ge [sflag:s22], $0x2000  }
0xd9: {  	[sflag:s22] =	ssyncset.done $0x0  }
0xda: {  	s25 =	sadd.s32 $0x3, s21;
	[sflag:s22] =	ssyncadd.s32 $0xFFFFE000  }
0xdb: {  	s23 =	sshll.u32 s21, $0xD;
	s20 =	sadd.s32 $0x1, s20;
	_ =	swait.ge [sflag:s25], $0x2000  }
0xdc: {  	s24 =	sadd.s32 $0x2700, s23;
	p5 =	sne.s32 s20, $0x27;
	[sflag:s25] =	ssyncset.done $0x0  }
.Ltmp6:
0xdd: {  	[sflag:s25] =	ssyncadd.s32 $0xFFFFE000;
	s25 =	sadd.s32 $0x5, s21;
	(pc) =	sbr.rel @!p5 .LBB2_10-.Ltmp6, $4  }
0xde: {  	[spmem:s15] =	stream.indirect.scatter.add.f32 [tilespmem:s24], [sflag:s25], $0x80, s0, s8, $0xb8;
	[tilespmem:$0x1DF80] =	vst v63  }
0xdf: {  	s24 =	sadd.s32 $0x6700, s23;
	s25 =	sadd.s32 $0x7, s21  }
0xe0: {  	[spmem:s15] =	stream.indirect.scatter.add.f32 [tilespmem:s24], [sflag:s25], $0x80, s0, s8, $0xb8;
	[tilespmem:$0x1DF80] =	vst v63  }
0xe1: {  	s4 =	sadd.s32 $0x400, s4;
	s18 =	sadd.s32 $0x80, s18;
	s0 =	sadd.s32 $0x80, s0  }
.LBB2_5:
0xe2: {  	p5 =	seq.s32 s20, $0x0  }
.Ltmp7:
0xe3: {  	_ = 	snop;
	(pc) =	sbr.rel @p5 .LBB2_8-.Ltmp7, $3  }
0xe4: {  	_ =	sdelay $0x1  }
0xe5: {  	s21 =	sand.u32 $0x1, s20  }
0xe6: {  	s22 =	sxor.u32 $0x1, s21  }
0xe7: {  	p5 =	seq.s32 s20, $0x26  }
.Ltmp8:
0xe8: {  	_ = 	snop;
	(pc) =	sbr.rel @p5 .LBB2_9-.Ltmp8, $1  }
0xe9: {  	_ =	sdelay $0x3  }
0xea: {  	s23 =	sadd.s32 $0x5, s22  }
0xeb: {  	_ =	swait.ge [sflag:s23], $0x2000  }
.Ltmp9:
0xec: {  	[sflag:s23] =	ssyncset.done $0x0;
	(pc) =	sbr.rel .LBB2_8-.Ltmp9, $4  }
0xed: {  	s25 =	sadd.s32 $0x7, s22;
	[sflag:s23] =	ssyncadd.s32 $0xFFFFE000  }
0xee: {  	_ =	swait.ge [sflag:s25], $0x2000  }
0xef: {  	[sflag:s25] =	ssyncset.done $0x0  }
0xf0: {  	[sflag:s25] =	ssyncadd.s32 $0xFFFFE000  }
.LBB2_12:
0xf1: {  	_ =	sfence.sel $0x180000  }
0xf2: {  	[bflag:$0x0] =	sbarrier.arrive $0xFFFF  }
0xf3: {  	_ =	strace $0x90000047  }
0xf4: {  	s0 =	stileid.u32;
	[bflag:$0x2] =	sbarrier.arrive $0xFFFF  }
0xf5: {  	p0 =	sne.s32 s0, $0x0;
	s0 =	rddreg [dreg:$0x4]  }
0xf6: {  	s0 =	sadd.s32 @!p0 $0x100000, s0  }
0xf7: {  	[sflag:s0] =	ssyncadd.tile.s32 @!p0 $0x1;
	_ =	shalt  }
.Lfunc_end2:
_tile_overlayer_lowered:
.L_overlay_start_2:
0xf8: {  	(tag) =	ssettag $0x2  }
0xf9: {  	s0 =	rddreg [dreg:$0x0];
	s2 =	stileid.u32  }
0xfa: {  	s1 =	rddreg [dreg:$0x1];
	p0 =	sne.s32 s2, $0x0  }
0xfb: {  	s3 =	rddreg [dreg:$0x2];
	[bflag:$0x3] =	sbarrier.arrive $0xFFFF;
	s2 =	simm.s32 @!p0 $0x1C09  }
0xfc: {  	[timem:s3], [sflag:s2] =	dma.local @!p0 [hbm:s0], s1  }
0xfd: {  	s0 =	simm.s32 @!p0 $0x9  }
0xfe: {  	_ =	swait.ge @!p0 [sflag:s0], s1  }
0xff: {  	s1 =	ssub.s32 @!p0 $0x0, s1;
	[sflag:s0] =	ssyncset.done @!p0 $0x0  }
0x100: {  	[sflag:s0] =	ssyncadd.s32 @!p0 s1  }
0x101: {  	[bflag:$0x3] =	sbarrier.arrive $0xFFFF  }
0x102: {  	_ =	shalt  }

</sc_bundles>
